<compile_context>
chip_gen: v7x
topology: tpu7x:2x2x1
jax: 0.10.2.dev20260603
libtpu: 0.0.44.dev20260713+nightly
codegen_flags: <defaults>
</compile_context>

<pallas_src>
import functools

import jax
import jax.numpy as jnp
from jax import lax
from jax.experimental import pallas as pl
from jax.experimental.pallas import tpu as pltpu
from jax.experimental.pallas import tpu_sc as plsc


def _chol_kernel(lr_ref, diag_ref, y_ref, e_ref, tril_ref, idx_ref, *, e_size):
    idx_ref[...] = y_ref[...] * e_size + e_ref[...]

    lr = lr_ref[...]
    d = diag_ref[...]
    k_comb, z, _ = lr.shape

    cov = lax.dot_general(
        lr, lr,
        dimension_numbers=(((2,), (2,)), ((0,), (0,))),
        preferred_element_type=jnp.float32,
    )
    sp = jnp.maximum(d, 0.0) + jnp.log(1.0 + jnp.exp(-jnp.abs(d)))
    rows = lax.broadcasted_iota(jnp.int32, (k_comb, z, z), 1)
    cols = lax.broadcasted_iota(jnp.int32, (k_comb, z, z), 2)
    a = cov + jnp.where(rows == cols, sp[:, :, None], 0.0)

    def body(k, a):
        dk = jnp.sum(jnp.where((rows == k) & (cols == k), a, 0.0),
                     axis=(1, 2), keepdims=True)
        inv_piv = lax.rsqrt(dk)
        piv = dk * inv_piv
        colk = jnp.sum(jnp.where(cols == k, a, 0.0),
                       axis=2, keepdims=True)
        ridx = rows[:, :, :1]
        v = jnp.where(ridx > k, colk * inv_piv, 0.0)
        a = a - v * jnp.swapaxes(v, 1, 2)
        newcol = jnp.where(ridx == k, piv, v)
        return jnp.where(cols == k, newcol, a)

    a = lax.fori_loop(0, z, body, a)
    tril_ref[...] = jnp.where(rows >= cols, a, 0.0)


def _make_sc_gather(b, z_pad, d_tril, k_comb, nc, ns):
    nw = nc * ns
    b_per_w = b // nw
    loc_chunk = 128
    group = 16
    n_groups = b_per_w // group

    mesh = plsc.VectorSubcoreMesh(core_axis_name="c", subcore_axis_name="s")

    @functools.partial(
        pl.kernel,
        out_type=(
            jax.ShapeDtypeStruct((b, z_pad), jnp.float32),
            jax.ShapeDtypeStruct((b, d_tril), jnp.float32),
        ),
        mesh=mesh,
        scratch_types=[
            pltpu.VMEM((b_per_w,), jnp.int32),
            pltpu.VMEM((loc_chunk, z_pad), jnp.float32),
            pltpu.VMEM((k_comb, d_tril), jnp.float32),
            pltpu.VMEM_SHARED((k_comb, d_tril), jnp.float32),
            pltpu.SemaphoreType.DMA,
        ],
    )
    def sc_gather(mu_hbm, table_hbm, idx_hbm, loc_out, tril_out,
                  idx_v, loc_buf, table_v, table_sh, sem):
        cid = lax.axis_index("c")
        sid = lax.axis_index("s")
        wid = sid * nc + cid
        base = wid * b_per_w
        pltpu.sync_copy(idx_hbm.at[pl.ds(base, b_per_w)], idx_v)


        for g in range(b_per_w // loc_chunk):
            pltpu.async_copy(
                mu_hbm.at[idx_v.at[pl.ds(g * loc_chunk, loc_chunk)]],
                loc_buf, sem).wait()
            pltpu.sync_copy(loc_buf,
                            loc_out.at[pl.ds(base + g * loc_chunk, loc_chunk)])

        def body(g, _):
            ivec = idx_v[pl.ds(g * group, group)]
            for j in range(group):
                pltpu.async_copy(
                    table_hbm.at[pl.ds(ivec[j], 1)],
                    tril_out.at[pl.ds(base + g * group + j, 1)], sem)
            return 0

        lax.fori_loop(0, n_groups, body, 0)

        def drain(g, _):
            for _j in range(group):
                pltpu.make_async_copy(
                    table_hbm.at[pl.ds(0, 1)],
                    tril_out.at[pl.ds(base, 1)], sem).wait()
            return 0

        lax.fori_loop(0, n_groups, drain, 0)

    return sc_gather


def kernel(mu, low_rank, diag, y, e):
    n_classes, e_size, z = mu.shape
    rank = low_rank.shape[-1]
    k_comb = n_classes * e_size
    b = y.shape[0]

    lr_t = low_rank.reshape(k_comb, z, rank)
    d_t = diag.reshape(k_comb, z)
    mu_t = mu.reshape(k_comb, z)
    y32 = y.astype(jnp.int32)
    e32 = e.astype(jnp.int32)

    tril_t, idx = pl.pallas_call(
        functools.partial(_chol_kernel, e_size=e_size),
        out_shape=(
            jax.ShapeDtypeStruct((k_comb, z, z), jnp.float32),
            jax.ShapeDtypeStruct((b,), jnp.int32),
        ),
    )(lr_t, d_t, y32, e32)

    z_pad = 128
    mu_pad = jnp.pad(mu_t, ((0, 0), (0, z_pad - z)))

    info = plsc.get_sparse_core_info()
    sc_gather = _make_sc_gather(b, z_pad, z * z, k_comb,
                                info.num_cores, info.num_subcores)
    loc_pad, tril_rows = sc_gather(mu_pad, tril_t.reshape(k_comb, z * z), idx)
    return (loc_pad[:, :z], tril_rows.reshape(b, z, z))

# --- scband reference (transcript-rebuilt; emitter-appended) ---
"""Pipeline reference for scband-prior-spurious-31739808318109 (READ-ONLY COPY).

The authoritative reference and input builder live on the scoring server;
editing this copy changes nothing except your own understanding.
"""

import jax, jax.numpy as jnp
import numpy as np

N_CLASSES = 2
E_SIZE = 4
Z_SIZE = 64
RANK = 16
BATCH = 16384


def arr_to_tril(low_rank, diag):
    # cov = L @ L^T + diag_embed(softplus(diag)); scale_tril = cholesky(cov)
    z = diag.shape[-1]
    eye = jnp.eye(z, dtype=diag.dtype)
    cov = low_rank @ jnp.swapaxes(low_rank, -1, -2) + jax.nn.softplus(diag)[..., :, None] * eye
    return jnp.linalg.cholesky(cov)


def setup_inputs(seed: int = 0) -> dict:
    key = jax.random.key(seed)
    k1, k2, k3, k4, k5 = jax.random.split(key, 5)
    # kaiming-style init (scaled normals) for the learned parameter tables
    mu = jax.random.normal(k1, (N_CLASSES, E_SIZE, Z_SIZE), dtype=jnp.float32) * float(np.sqrt(2.0 / (E_SIZE * Z_SIZE)))
    low_rank = jax.random.normal(k2, (N_CLASSES, E_SIZE, Z_SIZE, RANK), dtype=jnp.float32) * 0.1
    diag = jax.random.normal(k3, (N_CLASSES, E_SIZE, Z_SIZE), dtype=jnp.float32) * 0.1
    y = jax.random.randint(k4, (BATCH,), 0, N_CLASSES, dtype=jnp.int64 if jax.config.jax_enable_x64 else jnp.int32)
    e = jax.random.randint(k5, (BATCH,), 0, E_SIZE, dtype=jnp.int64 if jax.config.jax_enable_x64 else jnp.int32)
    return {"mu": mu, "low_rank": low_rank, "diag": diag, "y": y, "e": e}


def reference(mu, low_rank, diag, y, e):
    # gather per-(class, environment) parameters (embedding-style lookup)
    loc = mu[y, e]                      # [B, Z]
    lr_g = low_rank[y, e]               # [B, Z, R]
    d_g = diag[y, e]                    # [B, Z]
    scale_tril = arr_to_tril(lr_g, d_g) # [B, Z, Z]
    # The torch module returns D.MultivariateNormal(loc, scale_tril); we return its
    # defining tensors (loc, scale_tril), which is the full forward computation.
    return (loc, scale_tril)

if __name__ == "__main__":
    import jax
    _d = setup_inputs()
    print(jax.jit(kernel)(*tuple(_d.values())))

</pallas_src>

<mosaic_0001>
#map = affine_map<(d0, d1) -> (0, 0)>
#map1 = affine_map<(d0, d1) -> (0)>
module attributes {stable_mosaic.version = 14 : i64} {
  func.func @sc_gather(%arg0: i32, %arg1: i32, %arg2: memref<8x128xf32, #tpu.memory_space<hbm>>, %arg3: memref<8x4096xf32, #tpu.memory_space<hbm>>, %arg4: memref<16384xi32, #tpu.memory_space<hbm>>, %arg5: memref<16384x128xf32, #tpu.memory_space<hbm>>, %arg6: memref<16384x4096xf32, #tpu.memory_space<hbm>>, %arg7: memref<512xi32, #tpu.memory_space<vmem>>, %arg8: memref<128x128xf32, #tpu.memory_space<vmem>>, %arg9: memref<8x4096xf32, #tpu.memory_space<vmem>>, %arg10: memref<8x4096xf32, #tpu.memory_space<vmem_shared>>, %arg11: memref<!tpu.dma_semaphore, #tpu.memory_space<semaphore_mem>>) attributes {dimension_semantics = [#tpu.dimension_semantics<core_parallel>, #tpu.dimension_semantics<subcore_parallel>], iteration_bounds = array<i64: 2, 16>, scalar_prefetch = 0 : i64, scratch_operands = 5 : i64, tpu.core_type = #tpu.core_type<sc_vector_subcore>, window_params = [{transform_indices = #map}, {transform_indices = #map}, {transform_indices = #map1}, {transform_indices = #map}, {transform_indices = #map}]} {
    %mul3A = arith.constant 2 : i32
    %mul3A_0 = arith.muli %arg1, %mul3A : i32
    %add3A = arith.addi %mul3A_0, %arg0 : i32
    %mul3A_1 = arith.constant 512 : i32
    %mul3A_2 = arith.muli %add3A, %mul3A_1 : i32
    "tpu.region"() ({
      %run_scoped3A = tpu.sem_alloc : memref<!tpu.dma_semaphore, #tpu.memory_space<semaphore_mem>>
      %dma_start3A_62 = tpu.memref_slice %arg4[%mul3A_2] : memref<16384xi32, #tpu.memory_space<hbm>> -> memref<512xi32, #tpu.memory_space<hbm>>
      %dma_start3A_63 = tpu.memref_slice %arg4[%mul3A_2] : memref<16384xi32, #tpu.memory_space<hbm>> -> memref<512xi32, #tpu.memory_space<hbm>>
      tpu.enqueue_dma source(%dma_start3A_63 : memref<512xi32, #tpu.memory_space<hbm>>) target(%arg7 : memref<512xi32, #tpu.memory_space<vmem>>) target_semaphore(%run_scoped3A : memref<!tpu.dma_semaphore, #tpu.memory_space<semaphore_mem>>)
      %dma_wait3A_64 = tpu.memref_slice %arg4[%mul3A_2] : memref<16384xi32, #tpu.memory_space<hbm>> -> memref<512xi32, #tpu.memory_space<hbm>>
      %dma_wait3A_65 = tpu.memref_slice %arg4[%mul3A_2] : memref<16384xi32, #tpu.memory_space<hbm>> -> memref<512xi32, #tpu.memory_space<hbm>>
      tpu.wait_dma2 semaphore(%run_scoped3A : memref<!tpu.dma_semaphore, #tpu.memory_space<semaphore_mem>>) src(%dma_wait3A_65 : memref<512xi32, #tpu.memory_space<hbm>>) dst(%arg7 : memref<512xi32, #tpu.memory_space<vmem>>)
      tpu.yield
    }) : () -> ()
    %dma_start3A = arith.constant 0 : i32
    %dma_start3A_3 = tpu.memref_slice %arg7[%dma_start3A] : memref<512xi32, #tpu.memory_space<vmem>> -> memref<128xi32, #tpu.memory_space<vmem>>
    %dma_start3A_4 = arith.constant 0 : i32
    %dma_start3A_5 = arith.constant 0 : i32
    %dma_start3A_6 = tpu.memref_slice %arg2[%dma_start3A_4, %dma_start3A_5] : memref<8x128xf32, #tpu.memory_space<hbm>> -> memref<8x128xf32, #tpu.memory_space<hbm>>
    tpu.enqueue_indirect_dma source(%dma_start3A_6 : memref<8x128xf32, #tpu.memory_space<hbm>>) target(%arg8 : memref<128x128xf32, #tpu.memory_space<vmem>>) offsets(%dma_start3A_3 : memref<128xi32, #tpu.memory_space<vmem>>) semaphore(%arg11 : memref<!tpu.dma_semaphore, #tpu.memory_space<semaphore_mem>>)
    %dma_wait3A = arith.constant 0 : i32
    %dma_wait3A_7 = tpu.memref_slice %arg7[%dma_wait3A] : memref<512xi32, #tpu.memory_space<vmem>> -> memref<128xi32, #tpu.memory_space<vmem>>
    %dma_wait3A_8 = arith.constant 0 : i32
    %dma_wait3A_9 = arith.constant 0 : i32
    %dma_wait3A_10 = tpu.memref_slice %arg2[%dma_wait3A_8, %dma_wait3A_9] : memref<8x128xf32, #tpu.memory_space<hbm>> -> memref<8x128xf32, #tpu.memory_space<hbm>>
    tpu.wait_indirect_dma semaphore(%arg11 : memref<!tpu.dma_semaphore, #tpu.memory_space<semaphore_mem>>) src(%dma_wait3A_10 : memref<8x128xf32, #tpu.memory_space<hbm>>) dst(%arg8 : memref<128x128xf32, #tpu.memory_space<vmem>>)
    %add3A_11 = arith.constant 0 : i32
    %add3A_12 = arith.addi %mul3A_2, %add3A_11 : i32
    "tpu.region"() ({
      %run_scoped3A = tpu.sem_alloc : memref<!tpu.dma_semaphore, #tpu.memory_space<semaphore_mem>>
      %dma_start3A_62 = arith.constant 0 : i32
      %dma_start3A_63 = tpu.memref_slice %arg5[%add3A_12, %dma_start3A_62] : memref<16384x128xf32, #tpu.memory_space<hbm>> -> memref<128x128xf32, #tpu.memory_space<hbm>>
      %dma_start3A_64 = arith.constant 0 : i32
      %dma_start3A_65 = tpu.memref_slice %arg5[%add3A_12, %dma_start3A_64] : memref<16384x128xf32, #tpu.memory_space<hbm>> -> memref<128x128xf32, #tpu.memory_space<hbm>>
      tpu.enqueue_dma source(%arg8 : memref<128x128xf32, #tpu.memory_space<vmem>>) target(%dma_start3A_65 : memref<128x128xf32, #tpu.memory_space<hbm>>) target_semaphore(%run_scoped3A : memref<!tpu.dma_semaphore, #tpu.memory_space<semaphore_mem>>)
      %dma_wait3A_66 = arith.constant 0 : i32
      %dma_wait3A_67 = tpu.memref_slice %arg5[%add3A_12, %dma_wait3A_66] : memref<16384x128xf32, #tpu.memory_space<hbm>> -> memref<128x128xf32, #tpu.memory_space<hbm>>
      %dma_wait3A_68 = arith.constant 0 : i32
      %dma_wait3A_69 = tpu.memref_slice %arg5[%add3A_12, %dma_wait3A_68] : memref<16384x128xf32, #tpu.memory_space<hbm>> -> memref<128x128xf32, #tpu.memory_space<hbm>>
      tpu.wait_dma2 semaphore(%run_scoped3A : memref<!tpu.dma_semaphore, #tpu.memory_space<semaphore_mem>>) src(%arg8 : memref<128x128xf32, #tpu.memory_space<vmem>>) dst(%dma_wait3A_69 : memref<128x128xf32, #tpu.memory_space<hbm>>)
      tpu.yield
    }) : () -> ()
    %dma_start3A_13 = arith.constant 128 : i32
    %dma_start3A_14 = tpu.memref_slice %arg7[%dma_start3A_13] : memref<512xi32, #tpu.memory_space<vmem>> -> memref<128xi32, #tpu.memory_space<vmem>>
    %dma_start3A_15 = arith.constant 0 : i32
    %dma_start3A_16 = arith.constant 0 : i32
    %dma_start3A_17 = tpu.memref_slice %arg2[%dma_start3A_15, %dma_start3A_16] : memref<8x128xf32, #tpu.memory_space<hbm>> -> memref<8x128xf32, #tpu.memory_space<hbm>>
    tpu.enqueue_indirect_dma source(%dma_start3A_17 : memref<8x128xf32, #tpu.memory_space<hbm>>) target(%arg8 : memref<128x128xf32, #tpu.memory_space<vmem>>) offsets(%dma_start3A_14 : memref<128xi32, #tpu.memory_space<vmem>>) semaphore(%arg11 : memref<!tpu.dma_semaphore, #tpu.memory_space<semaphore_mem>>)
    %dma_wait3A_18 = arith.constant 128 : i32
    %dma_wait3A_19 = tpu.memref_slice %arg7[%dma_wait3A_18] : memref<512xi32, #tpu.memory_space<vmem>> -> memref<128xi32, #tpu.memory_space<vmem>>
    %dma_wait3A_20 = arith.constant 0 : i32
    %dma_wait3A_21 = arith.constant 0 : i32
    %dma_wait3A_22 = tpu.memref_slice %arg2[%dma_wait3A_20, %dma_wait3A_21] : memref<8x128xf32, #tpu.memory_space<hbm>> -> memref<8x128xf32, #tpu.memory_space<hbm>>
    tpu.wait_indirect_dma semaphore(%arg11 : memref<!tpu.dma_semaphore, #tpu.memory_space<semaphore_mem>>) src(%dma_wait3A_22 : memref<8x128xf32, #tpu.memory_space<hbm>>) dst(%arg8 : memref<128x128xf32, #tpu.memory_space<vmem>>)
    %add3A_23 = arith.constant 128 : i32
    %add3A_24 = arith.addi %mul3A_2, %add3A_23 : i32
    "tpu.region"() ({
      %run_scoped3A = tpu.sem_alloc : memref<!tpu.dma_semaphore, #tpu.memory_space<semaphore_mem>>
      %dma_start3A_62 = arith.constant 0 : i32
      %dma_start3A_63 = tpu.memref_slice %arg5[%add3A_24, %dma_start3A_62] : memref<16384x128xf32, #tpu.memory_space<hbm>> -> memref<128x128xf32, #tpu.memory_space<hbm>>
      %dma_start3A_64 = arith.constant 0 : i32
      %dma_start3A_65 = tpu.memref_slice %arg5[%add3A_24, %dma_start3A_64] : memref<16384x128xf32, #tpu.memory_space<hbm>> -> memref<128x128xf32, #tpu.memory_space<hbm>>
      tpu.enqueue_dma source(%arg8 : memref<128x128xf32, #tpu.memory_space<vmem>>) target(%dma_start3A_65 : memref<128x128xf32, #tpu.memory_space<hbm>>) target_semaphore(%run_scoped3A : memref<!tpu.dma_semaphore, #tpu.memory_space<semaphore_mem>>)
      %dma_wait3A_66 = arith.constant 0 : i32
      %dma_wait3A_67 = tpu.memref_slice %arg5[%add3A_24, %dma_wait3A_66] : memref<16384x128xf32, #tpu.memory_space<hbm>> -> memref<128x128xf32, #tpu.memory_space<hbm>>
      %dma_wait3A_68 = arith.constant 0 : i32
      %dma_wait3A_69 = tpu.memref_slice %arg5[%add3A_24, %dma_wait3A_68] : memref<16384x128xf32, #tpu.memory_space<hbm>> -> memref<128x128xf32, #tpu.memory_space<hbm>>
      tpu.wait_dma2 semaphore(%run_scoped3A : memref<!tpu.dma_semaphore, #tpu.memory_space<semaphore_mem>>) src(%arg8 : memref<128x128xf32, #tpu.memory_space<vmem>>) dst(%dma_wait3A_69 : memref<128x128xf32, #tpu.memory_space<hbm>>)
      tpu.yield
    }) : () -> ()
    %dma_start3A_25 = arith.constant 256 : i32
    %dma_start3A_26 = tpu.memref_slice %arg7[%dma_start3A_25] : memref<512xi32, #tpu.memory_space<vmem>> -> memref<128xi32, #tpu.memory_space<vmem>>
    %dma_start3A_27 = arith.constant 0 : i32
    %dma_start3A_28 = arith.constant 0 : i32
    %dma_start3A_29 = tpu.memref_slice %arg2[%dma_start3A_27, %dma_start3A_28] : memref<8x128xf32, #tpu.memory_space<hbm>> -> memref<8x128xf32, #tpu.memory_space<hbm>>
    tpu.enqueue_indirect_dma source(%dma_start3A_29 : memref<8x128xf32, #tpu.memory_space<hbm>>) target(%arg8 : memref<128x128xf32, #tpu.memory_space<vmem>>) offsets(%dma_start3A_26 : memref<128xi32, #tpu.memory_space<vmem>>) semaphore(%arg11 : memref<!tpu.dma_semaphore, #tpu.memory_space<semaphore_mem>>)
    %dma_wait3A_30 = arith.constant 256 : i32
    %dma_wait3A_31 = tpu.memref_slice %arg7[%dma_wait3A_30] : memref<512xi32, #tpu.memory_space<vmem>> -> memref<128xi32, #tpu.memory_space<vmem>>
    %dma_wait3A_32 = arith.constant 0 : i32
    %dma_wait3A_33 = arith.constant 0 : i32
    %dma_wait3A_34 = tpu.memref_slice %arg2[%dma_wait3A_32, %dma_wait3A_33] : memref<8x128xf32, #tpu.memory_space<hbm>> -> memref<8x128xf32, #tpu.memory_space<hbm>>
    tpu.wait_indirect_dma semaphore(%arg11 : memref<!tpu.dma_semaphore, #tpu.memory_space<semaphore_mem>>) src(%dma_wait3A_34 : memref<8x128xf32, #tpu.memory_space<hbm>>) dst(%arg8 : memref<128x128xf32, #tpu.memory_space<vmem>>)
    %add3A_35 = arith.constant 256 : i32
    %add3A_36 = arith.addi %mul3A_2, %add3A_35 : i32
    "tpu.region"() ({
      %run_scoped3A = tpu.sem_alloc : memref<!tpu.dma_semaphore, #tpu.memory_space<semaphore_mem>>
      %dma_start3A_62 = arith.constant 0 : i32
      %dma_start3A_63 = tpu.memref_slice %arg5[%add3A_36, %dma_start3A_62] : memref<16384x128xf32, #tpu.memory_space<hbm>> -> memref<128x128xf32, #tpu.memory_space<hbm>>
      %dma_start3A_64 = arith.constant 0 : i32
      %dma_start3A_65 = tpu.memref_slice %arg5[%add3A_36, %dma_start3A_64] : memref<16384x128xf32, #tpu.memory_space<hbm>> -> memref<128x128xf32, #tpu.memory_space<hbm>>
      tpu.enqueue_dma source(%arg8 : memref<128x128xf32, #tpu.memory_space<vmem>>) target(%dma_start3A_65 : memref<128x128xf32, #tpu.memory_space<hbm>>) target_semaphore(%run_scoped3A : memref<!tpu.dma_semaphore, #tpu.memory_space<semaphore_mem>>)
      %dma_wait3A_66 = arith.constant 0 : i32
      %dma_wait3A_67 = tpu.memref_slice %arg5[%add3A_36, %dma_wait3A_66] : memref<16384x128xf32, #tpu.memory_space<hbm>> -> memref<128x128xf32, #tpu.memory_space<hbm>>
      %dma_wait3A_68 = arith.constant 0 : i32
      %dma_wait3A_69 = tpu.memref_slice %arg5[%add3A_36, %dma_wait3A_68] : memref<16384x128xf32, #tpu.memory_space<hbm>> -> memref<128x128xf32, #tpu.memory_space<hbm>>
      tpu.wait_dma2 semaphore(%run_scoped3A : memref<!tpu.dma_semaphore, #tpu.memory_space<semaphore_mem>>) src(%arg8 : memref<128x128xf32, #tpu.memory_space<vmem>>) dst(%dma_wait3A_69 : memref<128x128xf32, #tpu.memory_space<hbm>>)
      tpu.yield
    }) : () -> ()
    %dma_start3A_37 = arith.constant 384 : i32
    %dma_start3A_38 = tpu.memref_slice %arg7[%dma_start3A_37] : memref<512xi32, #tpu.memory_space<vmem>> -> memref<128xi32, #tpu.memory_space<vmem>>
    %dma_start3A_39 = arith.constant 0 : i32
    %dma_start3A_40 = arith.constant 0 : i32
    %dma_start3A_41 = tpu.memref_slice %arg2[%dma_start3A_39, %dma_start3A_40] : memref<8x128xf32, #tpu.memory_space<hbm>> -> memref<8x128xf32, #tpu.memory_space<hbm>>
    tpu.enqueue_indirect_dma source(%dma_start3A_41 : memref<8x128xf32, #tpu.memory_space<hbm>>) target(%arg8 : memref<128x128xf32, #tpu.memory_space<vmem>>) offsets(%dma_start3A_38 : memref<128xi32, #tpu.memory_space<vmem>>) semaphore(%arg11 : memref<!tpu.dma_semaphore, #tpu.memory_space<semaphore_mem>>)
    %dma_wait3A_42 = arith.constant 384 : i32
    %dma_wait3A_43 = tpu.memref_slice %arg7[%dma_wait3A_42] : memref<512xi32, #tpu.memory_space<vmem>> -> memref<128xi32, #tpu.memory_space<vmem>>
    %dma_wait3A_44 = arith.constant 0 : i32
    %dma_wait3A_45 = arith.constant 0 : i32
    %dma_wait3A_46 = tpu.memref_slice %arg2[%dma_wait3A_44, %dma_wait3A_45] : memref<8x128xf32, #tpu.memory_space<hbm>> -> memref<8x128xf32, #tpu.memory_space<hbm>>
    tpu.wait_indirect_dma semaphore(%arg11 : memref<!tpu.dma_semaphore, #tpu.memory_space<semaphore_mem>>) src(%dma_wait3A_46 : memref<8x128xf32, #tpu.memory_space<hbm>>) dst(%arg8 : memref<128x128xf32, #tpu.memory_space<vmem>>)
    %add3A_47 = arith.constant 384 : i32
    %add3A_48 = arith.addi %mul3A_2, %add3A_47 : i32
    "tpu.region"() ({
      %run_scoped3A = tpu.sem_alloc : memref<!tpu.dma_semaphore, #tpu.memory_space<semaphore_mem>>
      %dma_start3A_62 = arith.constant 0 : i32
      %dma_start3A_63 = tpu.memref_slice %arg5[%add3A_48, %dma_start3A_62] : memref<16384x128xf32, #tpu.memory_space<hbm>> -> memref<128x128xf32, #tpu.memory_space<hbm>>
      %dma_start3A_64 = arith.constant 0 : i32
      %dma_start3A_65 = tpu.memref_slice %arg5[%add3A_48, %dma_start3A_64] : memref<16384x128xf32, #tpu.memory_space<hbm>> -> memref<128x128xf32, #tpu.memory_space<hbm>>
      tpu.enqueue_dma source(%arg8 : memref<128x128xf32, #tpu.memory_space<vmem>>) target(%dma_start3A_65 : memref<128x128xf32, #tpu.memory_space<hbm>>) target_semaphore(%run_scoped3A : memref<!tpu.dma_semaphore, #tpu.memory_space<semaphore_mem>>)
      %dma_wait3A_66 = arith.constant 0 : i32
      %dma_wait3A_67 = tpu.memref_slice %arg5[%add3A_48, %dma_wait3A_66] : memref<16384x128xf32, #tpu.memory_space<hbm>> -> memref<128x128xf32, #tpu.memory_space<hbm>>
      %dma_wait3A_68 = arith.constant 0 : i32
      %dma_wait3A_69 = tpu.memref_slice %arg5[%add3A_48, %dma_wait3A_68] : memref<16384x128xf32, #tpu.memory_space<hbm>> -> memref<128x128xf32, #tpu.memory_space<hbm>>
      tpu.wait_dma2 semaphore(%run_scoped3A : memref<!tpu.dma_semaphore, #tpu.memory_space<semaphore_mem>>) src(%arg8 : memref<128x128xf32, #tpu.memory_space<vmem>>) dst(%dma_wait3A_69 : memref<128x128xf32, #tpu.memory_space<hbm>>)
      tpu.yield
    }) : () -> ()
    %scan3A = arith.constant 0 : i32
    %scan3A_49 = arith.constant 0 : i32
    %scan3A_50 = arith.constant 32 : i32
    %scan3A_51 = arith.addi %scan3A_49, %scan3A_50 : i32
    %scan3A_52 = arith.constant 1 : i32
    %scan3A_53 = scf.for %scan3A_62 = %scan3A_49 to %scan3A_51 step %scan3A_52 iter_args(%scan3A_63 = %scan3A) -> (i32)  : i32 {
      %mul3A_64 = arith.constant 16 : i32
      %mul3A_65 = arith.muli %scan3A_62, %mul3A_64 : i32
      %get3A = arith.index_cast %mul3A_65 : i32 to index
      %get3A_66 = tpu.vector_load %arg7[%get3A] {strides = array<i32>} : memref<512xi32, #tpu.memory_space<vmem>>, vector<16xi32>,
      %get3A_67 = vector.shape_cast %get3A_66 : vector<16xi32> to vector<16xi32>
      %slice3A = vector.extract_strided_slice %get3A_67 {offsets = [0], sizes = [1], strides = [1]} : vector<16xi32> to vector<1xi32>
      %squeeze3A = vector.extract %slice3A[0] : i32 from vector<1xi32>
      %mul3A_68 = arith.constant 16 : i32
      %mul3A_69 = arith.muli %scan3A_62, %mul3A_68 : i32
      %add3A_70 = arith.addi %mul3A_2, %mul3A_69 : i32
      %add3A_71 = arith.constant 0 : i32
      %add3A_72 = arith.addi %add3A_70, %add3A_71 : i32
      %dma_start3A_73 = arith.constant 0 : i32
      %dma_start3A_74 = tpu.memref_slice %arg6[%add3A_72, %dma_start3A_73] : memref<16384x4096xf32, #tpu.memory_space<hbm>> -> memref<1x4096xf32, #tpu.memory_space<hbm>>
      %dma_start3A_75 = arith.constant 0 : i32
      %dma_start3A_76 = tpu.memref_slice %arg3[%squeeze3A, %dma_start3A_75] : memref<8x4096xf32, #tpu.memory_space<hbm>> -> memref<1x4096xf32, #tpu.memory_space<hbm>>
      tpu.enqueue_dma source(%dma_start3A_76 : memref<1x4096xf32, #tpu.memory_space<hbm>>) target(%dma_start3A_74 : memref<1x4096xf32, #tpu.memory_space<hbm>>) target_semaphore(%arg11 : memref<!tpu.dma_semaphore, #tpu.memory_space<semaphore_mem>>)
      %slice3A_77 = vector.extract_strided_slice %get3A_67 {offsets = [1], sizes = [1], strides = [1]} : vector<16xi32> to vector<1xi32>
      %squeeze3A_78 = vector.extract %slice3A_77[0] : i32 from vector<1xi32>
      %mul3A_79 = arith.constant 16 : i32
      %mul3A_80 = arith.muli %scan3A_62, %mul3A_79 : i32
      %add3A_81 = arith.addi %mul3A_2, %mul3A_80 : i32
      %add3A_82 = arith.constant 1 : i32
      %add3A_83 = arith.addi %add3A_81, %add3A_82 : i32
      %dma_start3A_84 = arith.constant 0 : i32
      %dma_start3A_85 = tpu.memref_slice %arg6[%add3A_83, %dma_start3A_84] : memref<16384x4096xf32, #tpu.memory_space<hbm>> -> memref<1x4096xf32, #tpu.memory_space<hbm>>
      %dma_start3A_86 = arith.constant 0 : i32
      %dma_start3A_87 = tpu.memref_slice %arg3[%squeeze3A_78, %dma_start3A_86] : memref<8x4096xf32, #tpu.memory_space<hbm>> -> memref<1x4096xf32, #tpu.memory_space<hbm>>
      tpu.enqueue_dma source(%dma_start3A_87 : memref<1x4096xf32, #tpu.memory_space<hbm>>) target(%dma_start3A_85 : memref<1x4096xf32, #tpu.memory_space<hbm>>) target_semaphore(%arg11 : memref<!tpu.dma_semaphore, #tpu.memory_space<semaphore_mem>>)
      %slice3A_88 = vector.extract_strided_slice %get3A_67 {offsets = [2], sizes = [1], strides = [1]} : vector<16xi32> to vector<1xi32>
      %squeeze3A_89 = vector.extract %slice3A_88[0] : i32 from vector<1xi32>
      %mul3A_90 = arith.constant 16 : i32
      %mul3A_91 = arith.muli %scan3A_62, %mul3A_90 : i32
      %add3A_92 = arith.addi %mul3A_2, %mul3A_91 : i32
      %add3A_93 = arith.constant 2 : i32
      %add3A_94 = arith.addi %add3A_92, %add3A_93 : i32
      %dma_start3A_95 = arith.constant 0 : i32
      %dma_start3A_96 = tpu.memref_slice %arg6[%add3A_94, %dma_start3A_95] : memref<16384x4096xf32, #tpu.memory_space<hbm>> -> memref<1x4096xf32, #tpu.memory_space<hbm>>
      %dma_start3A_97 = arith.constant 0 : i32
      %dma_start3A_98 = tpu.memref_slice %arg3[%squeeze3A_89, %dma_start3A_97] : memref<8x4096xf32, #tpu.memory_space<hbm>> -> memref<1x4096xf32, #tpu.memory_space<hbm>>
      tpu.enqueue_dma source(%dma_start3A_98 : memref<1x4096xf32, #tpu.memory_space<hbm>>) target(%dma_start3A_96 : memref<1x4096xf32, #tpu.memory_space<hbm>>) target_semaphore(%arg11 : memref<!tpu.dma_semaphore, #tpu.memory_space<semaphore_mem>>)
      %slice3A_99 = vector.extract_strided_slice %get3A_67 {offsets = [3], sizes = [1], strides = [1]} : vector<16xi32> to vector<1xi32>
      %squeeze3A_100 = vector.extract %slice3A_99[0] : i32 from vector<1xi32>
      %mul3A_101 = arith.constant 16 : i32
      %mul3A_102 = arith.muli %scan3A_62, %mul3A_101 : i32
      %add3A_103 = arith.addi %mul3A_2, %mul3A_102 : i32
      %add3A_104 = arith.constant 3 : i32
      %add3A_105 = arith.addi %add3A_103, %add3A_104 : i32
      %dma_start3A_106 = arith.constant 0 : i32
      %dma_start3A_107 = tpu.memref_slice %arg6[%add3A_105, %dma_start3A_106] : memref<16384x4096xf32, #tpu.memory_space<hbm>> -> memref<1x4096xf32, #tpu.memory_space<hbm>>
      %dma_start3A_108 = arith.constant 0 : i32
      %dma_start3A_109 = tpu.memref_slice %arg3[%squeeze3A_100, %dma_start3A_108] : memref<8x4096xf32, #tpu.memory_space<hbm>> -> memref<1x4096xf32, #tpu.memory_space<hbm>>
      tpu.enqueue_dma source(%dma_start3A_109 : memref<1x4096xf32, #tpu.memory_space<hbm>>) target(%dma_start3A_107 : memref<1x4096xf32, #tpu.memory_space<hbm>>) target_semaphore(%arg11 : memref<!tpu.dma_semaphore, #tpu.memory_space<semaphore_mem>>)
      %slice3A_110 = vector.extract_strided_slice %get3A_67 {offsets = [4], sizes = [1], strides = [1]} : vector<16xi32> to vector<1xi32>
      %squeeze3A_111 = vector.extract %slice3A_110[0] : i32 from vector<1xi32>
      %mul3A_112 = arith.constant 16 : i32
      %mul3A_113 = arith.muli %scan3A_62, %mul3A_112 : i32
      %add3A_114 = arith.addi %mul3A_2, %mul3A_113 : i32
      %add3A_115 = arith.constant 4 : i32
      %add3A_116 = arith.addi %add3A_114, %add3A_115 : i32
      %dma_start3A_117 = arith.constant 0 : i32
      %dma_start3A_118 = tpu.memref_slice %arg6[%add3A_116, %dma_start3A_117] : memref<16384x4096xf32, #tpu.memory_space<hbm>> -> memref<1x4096xf32, #tpu.memory_space<hbm>>
      %dma_start3A_119 = arith.constant 0 : i32
      %dma_start3A_120 = tpu.memref_slice %arg3[%squeeze3A_111, %dma_start3A_119] : memref<8x4096xf32, #tpu.memory_space<hbm>> -> memref<1x4096xf32, #tpu.memory_space<hbm>>
      tpu.enqueue_dma source(%dma_start3A_120 : memref<1x4096xf32, #tpu.memory_space<hbm>>) target(%dma_start3A_118 : memref<1x4096xf32, #tpu.memory_space<hbm>>) target_semaphore(%arg11 : memref<!tpu.dma_semaphore, #tpu.memory_space<semaphore_mem>>)
      %slice3A_121 = vector.extract_strided_slice %get3A_67 {offsets = [5], sizes = [1], strides = [1]} : vector<16xi32> to vector<1xi32>
      %squeeze3A_122 = vector.extract %slice3A_121[0] : i32 from vector<1xi32>
      %mul3A_123 = arith.constant 16 : i32
      %mul3A_124 = arith.muli %scan3A_62, %mul3A_123 : i32
      %add3A_125 = arith.addi %mul3A_2, %mul3A_124 : i32
      %add3A_126 = arith.constant 5 : i32
      %add3A_127 = arith.addi %add3A_125, %add3A_126 : i32
      %dma_start3A_128 = arith.constant 0 : i32
      %dma_start3A_129 = tpu.memref_slice %arg6[%add3A_127, %dma_start3A_128] : memref<16384x4096xf32, #tpu.memory_space<hbm>> -> memref<1x4096xf32, #tpu.memory_space<hbm>>
      %dma_start3A_130 = arith.constant 0 : i32
      %dma_start3A_131 = tpu.memref_slice %arg3[%squeeze3A_122, %dma_start3A_130] : memref<8x4096xf32, #tpu.memory_space<hbm>> -> memref<1x4096xf32, #tpu.memory_space<hbm>>
      tpu.enqueue_dma source(%dma_start3A_131 : memref<1x4096xf32, #tpu.memory_space<hbm>>) target(%dma_start3A_129 : memref<1x4096xf32, #tpu.memory_space<hbm>>) target_semaphore(%arg11 : memref<!tpu.dma_semaphore, #tpu.memory_space<semaphore_mem>>)
      %slice3A_132 = vector.extract_strided_slice %get3A_67 {offsets = [6], sizes = [1], strides = [1]} : vector<16xi32> to vector<1xi32>
      %squeeze3A_133 = vector.extract %slice3A_132[0] : i32 from vector<1xi32>
      %mul3A_134 = arith.constant 16 : i32
      %mul3A_135 = arith.muli %scan3A_62, %mul3A_134 : i32
      %add3A_136 = arith.addi %mul3A_2, %mul3A_135 : i32
      %add3A_137 = arith.constant 6 : i32
      %add3A_138 = arith.addi %add3A_136, %add3A_137 : i32
      %dma_start3A_139 = arith.constant 0 : i32
      %dma_start3A_140 = tpu.memref_slice %arg6[%add3A_138, %dma_start3A_139] : memref<16384x4096xf32, #tpu.memory_space<hbm>> -> memref<1x4096xf32, #tpu.memory_space<hbm>>
      %dma_start3A_141 = arith.constant 0 : i32
      %dma_start3A_142 = tpu.memref_slice %arg3[%squeeze3A_133, %dma_start3A_141] : memref<8x4096xf32, #tpu.memory_space<hbm>> -> memref<1x4096xf32, #tpu.memory_space<hbm>>
      tpu.enqueue_dma source(%dma_start3A_142 : memref<1x4096xf32, #tpu.memory_space<hbm>>) target(%dma_start3A_140 : memref<1x4096xf32, #tpu.memory_space<hbm>>) target_semaphore(%arg11 : memref<!tpu.dma_semaphore, #tpu.memory_space<semaphore_mem>>)
      %slice3A_143 = vector.extract_strided_slice %get3A_67 {offsets = [7], sizes = [1], strides = [1]} : vector<16xi32> to vector<1xi32>
      %squeeze3A_144 = vector.extract %slice3A_143[0] : i32 from vector<1xi32>
      %mul3A_145 = arith.constant 16 : i32
      %mul3A_146 = arith.muli %scan3A_62, %mul3A_145 : i32
      %add3A_147 = arith.addi %mul3A_2, %mul3A_146 : i32
      %add3A_148 = arith.constant 7 : i32
      %add3A_149 = arith.addi %add3A_147, %add3A_148 : i32
      %dma_start3A_150 = arith.constant 0 : i32
      %dma_start3A_151 = tpu.memref_slice %arg6[%add3A_149, %dma_start3A_150] : memref<16384x4096xf32, #tpu.memory_space<hbm>> -> memref<1x4096xf32, #tpu.memory_space<hbm>>
      %dma_start3A_152 = arith.constant 0 : i32
      %dma_start3A_153 = tpu.memref_slice %arg3[%squeeze3A_144, %dma_start3A_152] : memref<8x4096xf32, #tpu.memory_space<hbm>> -> memref<1x4096xf32, #tpu.memory_space<hbm>>
      tpu.enqueue_dma source(%dma_start3A_153 : memref<1x4096xf32, #tpu.memory_space<hbm>>) target(%dma_start3A_151 : memref<1x4096xf32, #tpu.memory_space<hbm>>) target_semaphore(%arg11 : memref<!tpu.dma_semaphore, #tpu.memory_space<semaphore_mem>>)
      %slice3A_154 = vector.extract_strided_slice %get3A_67 {offsets = [8], sizes = [1], strides = [1]} : vector<16xi32> to vector<1xi32>
      %squeeze3A_155 = vector.extract %slice3A_154[0] : i32 from vector<1xi32>
      %mul3A_156 = arith.constant 16 : i32
      %mul3A_157 = arith.muli %scan3A_62, %mul3A_156 : i32
      %add3A_158 = arith.addi %mul3A_2, %mul3A_157 : i32
      %add3A_159 = arith.constant 8 : i32
      %add3A_160 = arith.addi %add3A_158, %add3A_159 : i32
      %dma_start3A_161 = arith.constant 0 : i32
      %dma_start3A_162 = tpu.memref_slice %arg6[%add3A_160, %dma_start3A_161] : memref<16384x4096xf32, #tpu.memory_space<hbm>> -> memref<1x4096xf32, #tpu.memory_space<hbm>>
      %dma_start3A_163 = arith.constant 0 : i32
      %dma_start3A_164 = tpu.memref_slice %arg3[%squeeze3A_155, %dma_start3A_163] : memref<8x4096xf32, #tpu.memory_space<hbm>> -> memref<1x4096xf32, #tpu.memory_space<hbm>>
      tpu.enqueue_dma source(%dma_start3A_164 : memref<1x4096xf32, #tpu.memory_space<hbm>>) target(%dma_start3A_162 : memref<1x4096xf32, #tpu.memory_space<hbm>>) target_semaphore(%arg11 : memref<!tpu.dma_semaphore, #tpu.memory_space<semaphore_mem>>)
      %slice3A_165 = vector.extract_strided_slice %get3A_67 {offsets = [9], sizes = [1], strides = [1]} : vector<16xi32> to vector<1xi32>
      %squeeze3A_166 = vector.extract %slice3A_165[0] : i32 from vector<1xi32>
      %mul3A_167 = arith.constant 16 : i32
      %mul3A_168 = arith.muli %scan3A_62, %mul3A_167 : i32
      %add3A_169 = arith.addi %mul3A_2, %mul3A_168 : i32
      %add3A_170 = arith.constant 9 : i32
      %add3A_171 = arith.addi %add3A_169, %add3A_170 : i32
      %dma_start3A_172 = arith.constant 0 : i32
      %dma_start3A_173 = tpu.memref_slice %arg6[%add3A_171, %dma_start3A_172] : memref<16384x4096xf32, #tpu.memory_space<hbm>> -> memref<1x4096xf32, #tpu.memory_space<hbm>>
      %dma_start3A_174 = arith.constant 0 : i32
      %dma_start3A_175 = tpu.memref_slice %arg3[%squeeze3A_166, %dma_start3A_174] : memref<8x4096xf32, #tpu.memory_space<hbm>> -> memref<1x4096xf32, #tpu.memory_space<hbm>>
      tpu.enqueue_dma source(%dma_start3A_175 : memref<1x4096xf32, #tpu.memory_space<hbm>>) target(%dma_start3A_173 : memref<1x4096xf32, #tpu.memory_space<hbm>>) target_semaphore(%arg11 : memref<!tpu.dma_semaphore, #tpu.memory_space<semaphore_mem>>)
      %slice3A_176 = vector.extract_strided_slice %get3A_67 {offsets = [10], sizes = [1], strides = [1]} : vector<16xi32> to vector<1xi32>
      %squeeze3A_177 = vector.extract %slice3A_176[0] : i32 from vector<1xi32>
      %mul3A_178 = arith.constant 16 : i32
      %mul3A_179 = arith.muli %scan3A_62, %mul3A_178 : i32
      %add3A_180 = arith.addi %mul3A_2, %mul3A_179 : i32
      %add3A_181 = arith.constant 10 : i32
      %add3A_182 = arith.addi %add3A_180, %add3A_181 : i32
      %dma_start3A_183 = arith.constant 0 : i32
      %dma_start3A_184 = tpu.memref_slice %arg6[%add3A_182, %dma_start3A_183] : memref<16384x4096xf32, #tpu.memory_space<hbm>> -> memref<1x4096xf32, #tpu.memory_space<hbm>>
      %dma_start3A_185 = arith.constant 0 : i32
      %dma_start3A_186 = tpu.memref_slice %arg3[%squeeze3A_177, %dma_start3A_185] : memref<8x4096xf32, #tpu.memory_space<hbm>> -> memref<1x4096xf32, #tpu.memory_space<hbm>>
      tpu.enqueue_dma source(%dma_start3A_186 : memref<1x4096xf32, #tpu.memory_space<hbm>>) target(%dma_start3A_184 : memref<1x4096xf32, #tpu.memory_space<hbm>>) target_semaphore(%arg11 : memref<!tpu.dma_semaphore, #tpu.memory_space<semaphore_mem>>)
      %slice3A_187 = vector.extract_strided_slice %get3A_67 {offsets = [11], sizes = [1], strides = [1]} : vector<16xi32> to vector<1xi32>
      %squeeze3A_188 = vector.extract %slice3A_187[0] : i32 from vector<1xi32>
      %mul3A_189 = arith.constant 16 : i32
      %mul3A_190 = arith.muli %scan3A_62, %mul3A_189 : i32
      %add3A_191 = arith.addi %mul3A_2, %mul3A_190 : i32
      %add3A_192 = arith.constant 11 : i32
      %add3A_193 = arith.addi %add3A_191, %add3A_192 : i32
      %dma_start3A_194 = arith.constant 0 : i32
      %dma_start3A_195 = tpu.memref_slice %arg6[%add3A_193, %dma_start3A_194] : memref<16384x4096xf32, #tpu.memory_space<hbm>> -> memref<1x4096xf32, #tpu.memory_space<hbm>>
      %dma_start3A_196 = arith.constant 0 : i32
      %dma_start3A_197 = tpu.memref_slice %arg3[%squeeze3A_188, %dma_start3A_196] : memref<8x4096xf32, #tpu.memory_space<hbm>> -> memref<1x4096xf32, #tpu.memory_space<hbm>>
      tpu.enqueue_dma source(%dma_start3A_197 : memref<1x4096xf32, #tpu.memory_space<hbm>>) target(%dma_start3A_195 : memref<1x4096xf32, #tpu.memory_space<hbm>>) target_semaphore(%arg11 : memref<!tpu.dma_semaphore, #tpu.memory_space<semaphore_mem>>)
      %slice3A_198 = vector.extract_strided_slice %get3A_67 {offsets = [12], sizes = [1], strides = [1]} : vector<16xi32> to vector<1xi32>
      %squeeze3A_199 = vector.extract %slice3A_198[0] : i32 from vector<1xi32>
      %mul3A_200 = arith.constant 16 : i32
      %mul3A_201 = arith.muli %scan3A_62, %mul3A_200 : i32
      %add3A_202 = arith.addi %mul3A_2, %mul3A_201 : i32
      %add3A_203 = arith.constant 12 : i32
      %add3A_204 = arith.addi %add3A_202, %add3A_203 : i32
      %dma_start3A_205 = arith.constant 0 : i32
      %dma_start3A_206 = tpu.memref_slice %arg6[%add3A_204, %dma_start3A_205] : memref<16384x4096xf32, #tpu.memory_space<hbm>> -> memref<1x4096xf32, #tpu.memory_space<hbm>>
      %dma_start3A_207 = arith.constant 0 : i32
      %dma_start3A_208 = tpu.memref_slice %arg3[%squeeze3A_199, %dma_start3A_207] : memref<8x4096xf32, #tpu.memory_space<hbm>> -> memref<1x4096xf32, #tpu.memory_space<hbm>>
      tpu.enqueue_dma source(%dma_start3A_208 : memref<1x4096xf32, #tpu.memory_space<hbm>>) target(%dma_start3A_206 : memref<1x4096xf32, #tpu.memory_space<hbm>>) target_semaphore(%arg11 : memref<!tpu.dma_semaphore, #tpu.memory_space<semaphore_mem>>)
      %slice3A_209 = vector.extract_strided_slice %get3A_67 {offsets = [13], sizes = [1], strides = [1]} : vector<16xi32> to vector<1xi32>
      %squeeze3A_210 = vector.extract %slice3A_209[0] : i32 from vector<1xi32>
      %mul3A_211 = arith.constant 16 : i32
      %mul3A_212 = arith.muli %scan3A_62, %mul3A_211 : i32
      %add3A_213 = arith.addi %mul3A_2, %mul3A_212 : i32
      %add3A_214 = arith.constant 13 : i32
      %add3A_215 = arith.addi %add3A_213, %add3A_214 : i32
      %dma_start3A_216 = arith.constant 0 : i32
      %dma_start3A_217 = tpu.memref_slice %arg6[%add3A_215, %dma_start3A_216] : memref<16384x4096xf32, #tpu.memory_space<hbm>> -> memref<1x4096xf32, #tpu.memory_space<hbm>>
      %dma_start3A_218 = arith.constant 0 : i32
      %dma_start3A_219 = tpu.memref_slice %arg3[%squeeze3A_210, %dma_start3A_218] : memref<8x4096xf32, #tpu.memory_space<hbm>> -> memref<1x4096xf32, #tpu.memory_space<hbm>>
      tpu.enqueue_dma source(%dma_start3A_219 : memref<1x4096xf32, #tpu.memory_space<hbm>>) target(%dma_start3A_217 : memref<1x4096xf32, #tpu.memory_space<hbm>>) target_semaphore(%arg11 : memref<!tpu.dma_semaphore, #tpu.memory_space<semaphore_mem>>)
      %slice3A_220 = vector.extract_strided_slice %get3A_67 {offsets = [14], sizes = [1], strides = [1]} : vector<16xi32> to vector<1xi32>
      %squeeze3A_221 = vector.extract %slice3A_220[0] : i32 from vector<1xi32>
      %mul3A_222 = arith.constant 16 : i32
      %mul3A_223 = arith.muli %scan3A_62, %mul3A_222 : i32
      %add3A_224 = arith.addi %mul3A_2, %mul3A_223 : i32
      %add3A_225 = arith.constant 14 : i32
      %add3A_226 = arith.addi %add3A_224, %add3A_225 : i32
      %dma_start3A_227 = arith.constant 0 : i32
      %dma_start3A_228 = tpu.memref_slice %arg6[%add3A_226, %dma_start3A_227] : memref<16384x4096xf32, #tpu.memory_space<hbm>> -> memref<1x4096xf32, #tpu.memory_space<hbm>>
      %dma_start3A_229 = arith.constant 0 : i32
      %dma_start3A_230 = tpu.memref_slice %arg3[%squeeze3A_221, %dma_start3A_229] : memref<8x4096xf32, #tpu.memory_space<hbm>> -> memref<1x4096xf32, #tpu.memory_space<hbm>>
      tpu.enqueue_dma source(%dma_start3A_230 : memref<1x4096xf32, #tpu.memory_space<hbm>>) target(%dma_start3A_228 : memref<1x4096xf32, #tpu.memory_space<hbm>>) target_semaphore(%arg11 : memref<!tpu.dma_semaphore, #tpu.memory_space<semaphore_mem>>)
      %slice3A_231 = vector.extract_strided_slice %get3A_67 {offsets = [15], sizes = [1], strides = [1]} : vector<16xi32> to vector<1xi32>
      %squeeze3A_232 = vector.extract %slice3A_231[0] : i32 from vector<1xi32>
      %mul3A_233 = arith.constant 16 : i32
      %mul3A_234 = arith.muli %scan3A_62, %mul3A_233 : i32
      %add3A_235 = arith.addi %mul3A_2, %mul3A_234 : i32
      %add3A_236 = arith.constant 15 : i32
      %add3A_237 = arith.addi %add3A_235, %add3A_236 : i32
      %dma_start3A_238 = arith.constant 0 : i32
      %dma_start3A_239 = tpu.memref_slice %arg6[%add3A_237, %dma_start3A_238] : memref<16384x4096xf32, #tpu.memory_space<hbm>> -> memref<1x4096xf32, #tpu.memory_space<hbm>>
      %dma_start3A_240 = arith.constant 0 : i32
      %dma_start3A_241 = tpu.memref_slice %arg3[%squeeze3A_232, %dma_start3A_240] : memref<8x4096xf32, #tpu.memory_space<hbm>> -> memref<1x4096xf32, #tpu.memory_space<hbm>>
      tpu.enqueue_dma source(%dma_start3A_241 : memref<1x4096xf32, #tpu.memory_space<hbm>>) target(%dma_start3A_239 : memref<1x4096xf32, #tpu.memory_space<hbm>>) target_semaphore(%arg11 : memref<!tpu.dma_semaphore, #tpu.memory_space<semaphore_mem>>)
      %scan3A_242 = arith.constant 0 : i32
      scf.yield %scan3A_242 : i32
    }
    %scan3A_54 = arith.constant 32 : i32
    %scan3A_55 = arith.constant 0 : i32
    %scan3A_56 = arith.constant 0 : i32
    %scan3A_57 = arith.constant 32 : i32
    %scan3A_58 = arith.addi %scan3A_56, %scan3A_57 : i32
    %scan3A_59 = arith.constant 1 : i32
    %scan3A_60 = scf.for %scan3A_62 = %scan3A_56 to %scan3A_58 step %scan3A_59 iter_args(%scan3A_63 = %scan3A_55) -> (i32)  : i32 {
      %dma_wait3A_64 = arith.constant 0 : i32
      %dma_wait3A_65 = tpu.memref_slice %arg6[%mul3A_2, %dma_wait3A_64] : memref<16384x4096xf32, #tpu.memory_space<hbm>> -> memref<1x4096xf32, #tpu.memory_space<hbm>>
      %dma_wait3A_66 = arith.constant 0 : i32
      %dma_wait3A_67 = arith.constant 0 : i32
      %dma_wait3A_68 = tpu.memref_slice %arg3[%dma_wait3A_66, %dma_wait3A_67] : memref<8x4096xf32, #tpu.memory_space<hbm>> -> memref<1x4096xf32, #tpu.memory_space<hbm>>
      tpu.wait_dma2 semaphore(%arg11 : memref<!tpu.dma_semaphore, #tpu.memory_space<semaphore_mem>>) src(%dma_wait3A_68 : memref<1x4096xf32, #tpu.memory_space<hbm>>) dst(%dma_wait3A_65 : memref<1x4096xf32, #tpu.memory_space<hbm>>)
      %dma_wait3A_69 = arith.constant 0 : i32
      %dma_wait3A_70 = tpu.memref_slice %arg6[%mul3A_2, %dma_wait3A_69] : memref<16384x4096xf32, #tpu.memory_space<hbm>> -> memref<1x4096xf32, #tpu.memory_space<hbm>>
      %dma_wait3A_71 = arith.constant 0 : i32
      %dma_wait3A_72 = arith.constant 0 : i32
      %dma_wait3A_73 = tpu.memref_slice %arg3[%dma_wait3A_71, %dma_wait3A_72] : memref<8x4096xf32, #tpu.memory_space<hbm>> -> memref<1x4096xf32, #tpu.memory_space<hbm>>
      tpu.wait_dma2 semaphore(%arg11 : memref<!tpu.dma_semaphore, #tpu.memory_space<semaphore_mem>>) src(%dma_wait3A_73 : memref<1x4096xf32, #tpu.memory_space<hbm>>) dst(%dma_wait3A_70 : memref<1x4096xf32, #tpu.memory_space<hbm>>)
      %dma_wait3A_74 = arith.constant 0 : i32
      %dma_wait3A_75 = tpu.memref_slice %arg6[%mul3A_2, %dma_wait3A_74] : memref<16384x4096xf32, #tpu.memory_space<hbm>> -> memref<1x4096xf32, #tpu.memory_space<hbm>>
      %dma_wait3A_76 = arith.constant 0 : i32
      %dma_wait3A_77 = arith.constant 0 : i32
      %dma_wait3A_78 = tpu.memref_slice %arg3[%dma_wait3A_76, %dma_wait3A_77] : memref<8x4096xf32, #tpu.memory_space<hbm>> -> memref<1x4096xf32, #tpu.memory_space<hbm>>
      tpu.wait_dma2 semaphore(%arg11 : memref<!tpu.dma_semaphore, #tpu.memory_space<semaphore_mem>>) src(%dma_wait3A_78 : memref<1x4096xf32, #tpu.memory_space<hbm>>) dst(%dma_wait3A_75 : memref<1x4096xf32, #tpu.memory_space<hbm>>)
      %dma_wait3A_79 = arith.constant 0 : i32
      %dma_wait3A_80 = tpu.memref_slice %arg6[%mul3A_2, %dma_wait3A_79] : memref<16384x4096xf32, #tpu.memory_space<hbm>> -> memref<1x4096xf32, #tpu.memory_space<hbm>>
      %dma_wait3A_81 = arith.constant 0 : i32
      %dma_wait3A_82 = arith.constant 0 : i32
      %dma_wait3A_83 = tpu.memref_slice %arg3[%dma_wait3A_81, %dma_wait3A_82] : memref<8x4096xf32, #tpu.memory_space<hbm>> -> memref<1x4096xf32, #tpu.memory_space<hbm>>
      tpu.wait_dma2 semaphore(%arg11 : memref<!tpu.dma_semaphore, #tpu.memory_space<semaphore_mem>>) src(%dma_wait3A_83 : memref<1x4096xf32, #tpu.memory_space<hbm>>) dst(%dma_wait3A_80 : memref<1x4096xf32, #tpu.memory_space<hbm>>)
      %dma_wait3A_84 = arith.constant 0 : i32
      %dma_wait3A_85 = tpu.memref_slice %arg6[%mul3A_2, %dma_wait3A_84] : memref<16384x4096xf32, #tpu.memory_space<hbm>> -> memref<1x4096xf32, #tpu.memory_space<hbm>>
      %dma_wait3A_86 = arith.constant 0 : i32
      %dma_wait3A_87 = arith.constant 0 : i32
      %dma_wait3A_88 = tpu.memref_slice %arg3[%dma_wait3A_86, %dma_wait3A_87] : memref<8x4096xf32, #tpu.memory_space<hbm>> -> memref<1x4096xf32, #tpu.memory_space<hbm>>
      tpu.wait_dma2 semaphore(%arg11 : memref<!tpu.dma_semaphore, #tpu.memory_space<semaphore_mem>>) src(%dma_wait3A_88 : memref<1x4096xf32, #tpu.memory_space<hbm>>) dst(%dma_wait3A_85 : memref<1x4096xf32, #tpu.memory_space<hbm>>)
      %dma_wait3A_89 = arith.constant 0 : i32
      %dma_wait3A_90 = tpu.memref_slice %arg6[%mul3A_2, %dma_wait3A_89] : memref<16384x4096xf32, #tpu.memory_space<hbm>> -> memref<1x4096xf32, #tpu.memory_space<hbm>>
      %dma_wait3A_91 = arith.constant 0 : i32
      %dma_wait3A_92 = arith.constant 0 : i32
      %dma_wait3A_93 = tpu.memref_slice %arg3[%dma_wait3A_91, %dma_wait3A_92] : memref<8x4096xf32, #tpu.memory_space<hbm>> -> memref<1x4096xf32, #tpu.memory_space<hbm>>
      tpu.wait_dma2 semaphore(%arg11 : memref<!tpu.dma_semaphore, #tpu.memory_space<semaphore_mem>>) src(%dma_wait3A_93 : memref<1x4096xf32, #tpu.memory_space<hbm>>) dst(%dma_wait3A_90 : memref<1x4096xf32, #tpu.memory_space<hbm>>)
      %dma_wait3A_94 = arith.constant 0 : i32
      %dma_wait3A_95 = tpu.memref_slice %arg6[%mul3A_2, %dma_wait3A_94] : memref<16384x4096xf32, #tpu.memory_space<hbm>> -> memref<1x4096xf32, #tpu.memory_space<hbm>>
      %dma_wait3A_96 = arith.constant 0 : i32
      %dma_wait3A_97 = arith.constant 0 : i32
      %dma_wait3A_98 = tpu.memref_slice %arg3[%dma_wait3A_96, %dma_wait3A_97] : memref<8x4096xf32, #tpu.memory_space<hbm>> -> memref<1x4096xf32, #tpu.memory_space<hbm>>
      tpu.wait_dma2 semaphore(%arg11 : memref<!tpu.dma_semaphore, #tpu.memory_space<semaphore_mem>>) src(%dma_wait3A_98 : memref<1x4096xf32, #tpu.memory_space<hbm>>) dst(%dma_wait3A_95 : memref<1x4096xf32, #tpu.memory_space<hbm>>)
      %dma_wait3A_99 = arith.constant 0 : i32
      %dma_wait3A_100 = tpu.memref_slice %arg6[%mul3A_2, %dma_wait3A_99] : memref<16384x4096xf32, #tpu.memory_space<hbm>> -> memref<1x4096xf32, #tpu.memory_space<hbm>>
      %dma_wait3A_101 = arith.constant 0 : i32
      %dma_wait3A_102 = arith.constant 0 : i32
      %dma_wait3A_103 = tpu.memref_slice %arg3[%dma_wait3A_101, %dma_wait3A_102] : memref<8x4096xf32, #tpu.memory_space<hbm>> -> memref<1x4096xf32, #tpu.memory_space<hbm>>
      tpu.wait_dma2 semaphore(%arg11 : memref<!tpu.dma_semaphore, #tpu.memory_space<semaphore_mem>>) src(%dma_wait3A_103 : memref<1x4096xf32, #tpu.memory_space<hbm>>) dst(%dma_wait3A_100 : memref<1x4096xf32, #tpu.memory_space<hbm>>)
      %dma_wait3A_104 = arith.constant 0 : i32
      %dma_wait3A_105 = tpu.memref_slice %arg6[%mul3A_2, %dma_wait3A_104] : memref<16384x4096xf32, #tpu.memory_space<hbm>> -> memref<1x4096xf32, #tpu.memory_space<hbm>>
      %dma_wait3A_106 = arith.constant 0 : i32
      %dma_wait3A_107 = arith.constant 0 : i32
      %dma_wait3A_108 = tpu.memref_slice %arg3[%dma_wait3A_106, %dma_wait3A_107] : memref<8x4096xf32, #tpu.memory_space<hbm>> -> memref<1x4096xf32, #tpu.memory_space<hbm>>
      tpu.wait_dma2 semaphore(%arg11 : memref<!tpu.dma_semaphore, #tpu.memory_space<semaphore_mem>>) src(%dma_wait3A_108 : memref<1x4096xf32, #tpu.memory_space<hbm>>) dst(%dma_wait3A_105 : memref<1x4096xf32, #tpu.memory_space<hbm>>)
      %dma_wait3A_109 = arith.constant 0 : i32
      %dma_wait3A_110 = tpu.memref_slice %arg6[%mul3A_2, %dma_wait3A_109] : memref<16384x4096xf32, #tpu.memory_space<hbm>> -> memref<1x4096xf32, #tpu.memory_space<hbm>>
      %dma_wait3A_111 = arith.constant 0 : i32
      %dma_wait3A_112 = arith.constant 0 : i32
      %dma_wait3A_113 = tpu.memref_slice %arg3[%dma_wait3A_111, %dma_wait3A_112] : memref<8x4096xf32, #tpu.memory_space<hbm>> -> memref<1x4096xf32, #tpu.memory_space<hbm>>
      tpu.wait_dma2 semaphore(%arg11 : memref<!tpu.dma_semaphore, #tpu.memory_space<semaphore_mem>>) src(%dma_wait3A_113 : memref<1x4096xf32, #tpu.memory_space<hbm>>) dst(%dma_wait3A_110 : memref<1x4096xf32, #tpu.memory_space<hbm>>)
      %dma_wait3A_114 = arith.constant 0 : i32
      %dma_wait3A_115 = tpu.memref_slice %arg6[%mul3A_2, %dma_wait3A_114] : memref<16384x4096xf32, #tpu.memory_space<hbm>> -> memref<1x4096xf32, #tpu.memory_space<hbm>>
      %dma_wait3A_116 = arith.constant 0 : i32
      %dma_wait3A_117 = arith.constant 0 : i32
      %dma_wait3A_118 = tpu.memref_slice %arg3[%dma_wait3A_116, %dma_wait3A_117] : memref<8x4096xf32, #tpu.memory_space<hbm>> -> memref<1x4096xf32, #tpu.memory_space<hbm>>
      tpu.wait_dma2 semaphore(%arg11 : memref<!tpu.dma_semaphore, #tpu.memory_space<semaphore_mem>>) src(%dma_wait3A_118 : memref<1x4096xf32, #tpu.memory_space<hbm>>) dst(%dma_wait3A_115 : memref<1x4096xf32, #tpu.memory_space<hbm>>)
      %dma_wait3A_119 = arith.constant 0 : i32
      %dma_wait3A_120 = tpu.memref_slice %arg6[%mul3A_2, %dma_wait3A_119] : memref<16384x4096xf32, #tpu.memory_space<hbm>> -> memref<1x4096xf32, #tpu.memory_space<hbm>>
      %dma_wait3A_121 = arith.constant 0 : i32
      %dma_wait3A_122 = arith.constant 0 : i32
      %dma_wait3A_123 = tpu.memref_slice %arg3[%dma_wait3A_121, %dma_wait3A_122] : memref<8x4096xf32, #tpu.memory_space<hbm>> -> memref<1x4096xf32, #tpu.memory_space<hbm>>
      tpu.wait_dma2 semaphore(%arg11 : memref<!tpu.dma_semaphore, #tpu.memory_space<semaphore_mem>>) src(%dma_wait3A_123 : memref<1x4096xf32, #tpu.memory_space<hbm>>) dst(%dma_wait3A_120 : memref<1x4096xf32, #tpu.memory_space<hbm>>)
      %dma_wait3A_124 = arith.constant 0 : i32
      %dma_wait3A_125 = tpu.memref_slice %arg6[%mul3A_2, %dma_wait3A_124] : memref<16384x4096xf32, #tpu.memory_space<hbm>> -> memref<1x4096xf32, #tpu.memory_space<hbm>>
      %dma_wait3A_126 = arith.constant 0 : i32
      %dma_wait3A_127 = arith.constant 0 : i32
      %dma_wait3A_128 = tpu.memref_slice %arg3[%dma_wait3A_126, %dma_wait3A_127] : memref<8x4096xf32, #tpu.memory_space<hbm>> -> memref<1x4096xf32, #tpu.memory_space<hbm>>
      tpu.wait_dma2 semaphore(%arg11 : memref<!tpu.dma_semaphore, #tpu.memory_space<semaphore_mem>>) src(%dma_wait3A_128 : memref<1x4096xf32, #tpu.memory_space<hbm>>) dst(%dma_wait3A_125 : memref<1x4096xf32, #tpu.memory_space<hbm>>)
      %dma_wait3A_129 = arith.constant 0 : i32
      %dma_wait3A_130 = tpu.memref_slice %arg6[%mul3A_2, %dma_wait3A_129] : memref<16384x4096xf32, #tpu.memory_space<hbm>> -> memref<1x4096xf32, #tpu.memory_space<hbm>>
      %dma_wait3A_131 = arith.constant 0 : i32
      %dma_wait3A_132 = arith.constant 0 : i32
      %dma_wait3A_133 = tpu.memref_slice %arg3[%dma_wait3A_131, %dma_wait3A_132] : memref<8x4096xf32, #tpu.memory_space<hbm>> -> memref<1x4096xf32, #tpu.memory_space<hbm>>
      tpu.wait_dma2 semaphore(%arg11 : memref<!tpu.dma_semaphore, #tpu.memory_space<semaphore_mem>>) src(%dma_wait3A_133 : memref<1x4096xf32, #tpu.memory_space<hbm>>) dst(%dma_wait3A_130 : memref<1x4096xf32, #tpu.memory_space<hbm>>)
      %dma_wait3A_134 = arith.constant 0 : i32
      %dma_wait3A_135 = tpu.memref_slice %arg6[%mul3A_2, %dma_wait3A_134] : memref<16384x4096xf32, #tpu.memory_space<hbm>> -> memref<1x4096xf32, #tpu.memory_space<hbm>>
      %dma_wait3A_136 = arith.constant 0 : i32
      %dma_wait3A_137 = arith.constant 0 : i32
      %dma_wait3A_138 = tpu.memref_slice %arg3[%dma_wait3A_136, %dma_wait3A_137] : memref<8x4096xf32, #tpu.memory_space<hbm>> -> memref<1x4096xf32, #tpu.memory_space<hbm>>
      tpu.wait_dma2 semaphore(%arg11 : memref<!tpu.dma_semaphore, #tpu.memory_space<semaphore_mem>>) src(%dma_wait3A_138 : memref<1x4096xf32, #tpu.memory_space<hbm>>) dst(%dma_wait3A_135 : memref<1x4096xf32, #tpu.memory_space<hbm>>)
      %dma_wait3A_139 = arith.constant 0 : i32
      %dma_wait3A_140 = tpu.memref_slice %arg6[%mul3A_2, %dma_wait3A_139] : memref<16384x4096xf32, #tpu.memory_space<hbm>> -> memref<1x4096xf32, #tpu.memory_space<hbm>>
      %dma_wait3A_141 = arith.constant 0 : i32
      %dma_wait3A_142 = arith.constant 0 : i32
      %dma_wait3A_143 = tpu.memref_slice %arg3[%dma_wait3A_141, %dma_wait3A_142] : memref<8x4096xf32, #tpu.memory_space<hbm>> -> memref<1x4096xf32, #tpu.memory_space<hbm>>
      tpu.wait_dma2 semaphore(%arg11 : memref<!tpu.dma_semaphore, #tpu.memory_space<semaphore_mem>>) src(%dma_wait3A_143 : memref<1x4096xf32, #tpu.memory_space<hbm>>) dst(%dma_wait3A_140 : memref<1x4096xf32, #tpu.memory_space<hbm>>)
      %scan3A_144 = arith.constant 0 : i32
      scf.yield %scan3A_144 : i32
    }
    %scan3A_61 = arith.constant 32 : i32
    return
  }
}

module attributes {stable_mosaic.version = 14 : i64} {
  func.func @_chol_kernel(%arg0: memref<8x64x16xf32, #tpu.memory_space<vmem>>, %arg1: memref<8x64xf32, #tpu.memory_space<vmem>>, %arg2: memref<16384xi32, #tpu.memory_space<vmem>>, %arg3: memref<16384xi32, #tpu.memory_space<vmem>>, %arg4: memref<8x64x64xf32, #tpu.memory_space<vmem>>, %arg5: memref<16384xi32, #tpu.memory_space<vmem>>) attributes {dimension_semantics = [], scalar_prefetch = 0 : i64, scratch_operands = 0 : i64, tpu.core_type = #tpu.core_type<tc>} {
    %get3A = arith.constant 0 : index
    %get3A_0 = vector.load %arg2[%get3A] : memref<16384xi32, #tpu.memory_space<vmem>>, vector<16384xi32>
    %mul3A = arith.constant 4 : i32
    %mul3A_1 = vector.broadcast %mul3A : i32 to vector<16384xi32>
    %mul3A_2 = arith.muli %get3A_0, %mul3A_1 : vector<16384xi32>
    %get3A_3 = arith.constant 0 : index
    %get3A_4 = vector.load %arg3[%get3A_3] : memref<16384xi32, #tpu.memory_space<vmem>>, vector<16384xi32>
    %add3A = arith.addi %mul3A_2, %get3A_4 : vector<16384xi32>
    %swap3A = arith.constant 0 : index
    %swap3A_5 = vector.load %arg5[%swap3A] : memref<16384xi32, #tpu.memory_space<vmem>>, vector<16384xi32>
    tpu.vector_store %arg5[%swap3A], %add3A {strides = array<i32>} : memref<16384xi32, #tpu.memory_space<vmem>>, vector<16384xi32>,
    %get3A_6 = arith.constant 0 : index
    %get3A_7 = arith.constant 0 : index
    %get3A_8 = arith.constant 0 : index
    %get3A_9 = vector.load %arg0[%get3A_6, %get3A_7, %get3A_8] : memref<8x64x16xf32, #tpu.memory_space<vmem>>, vector<8x64x16xf32>
    %get3A_10 = arith.constant 0 : index
    %get3A_11 = arith.constant 0 : index
    %get3A_12 = vector.load %arg1[%get3A_10, %get3A_11] : memref<8x64xf32, #tpu.memory_space<vmem>>, vector<8x64xf32>
    %dot_general3A = arith.constant dense<0.000000e+00> : vector<8x64x64xf32>
    %dot_general3A_13 = tpu.matmul %get3A_9, %get3A_9, %dot_general3A {dimension_numbers = #tpu.dot_dimension_numbers<[2], [2], [1], [1], [0, 0, 0, 1, 1, 1], [0], [0]>, transpose_lhs_hint = false} : vector<8x64x16xf32>, vector<8x64x16xf32>, vector<8x64x64xf32> -> vector<8x64x64xf32>
    %max3A = arith.constant 0.000000e+00 : f32
    %max3A_14 = vector.broadcast %max3A : f32 to vector<8x64xf32>
    %max3A_15 = arith.maximumf %get3A_12, %max3A_14 : vector<8x64xf32>
    %abs3A = math.absf %get3A_12 : vector<8x64xf32>
    %neg3A = arith.constant 0.000000e+00 : f32
    %neg3A_16 = vector.broadcast %neg3A : f32 to vector<8x64xf32>
    %neg3A_17 = arith.subf %neg3A_16, %abs3A : vector<8x64xf32>
    %exp3A = math.exp %neg3A_17 : vector<8x64xf32>
    %add3A_18 = arith.constant 1.000000e+00 : f32
    %add3A_19 = vector.broadcast %add3A_18 : f32 to vector<8x64xf32>
    %add3A_20 = arith.addf %add3A_19, %exp3A : vector<8x64xf32>
    %log3A = math.log %add3A_20 : vector<8x64xf32>
    %add3A_21 = arith.addf %max3A_15, %log3A : vector<8x64xf32>
    %iota3A = tpu.iota {dimensions = array<i32: 1>} : vector<8x64x64xi32>
    %iota3A_22 = tpu.iota {dimensions = array<i32: 2>} : vector<8x64x64xi32>
    %eq3A = arith.cmpi eq, %iota3A, %iota3A_22 : vector<8x64x64xi32>
    %broadcast_in_dim3A = vector.shape_cast %add3A_21 : vector<8x64xf32> to vector<8x64x1xf32>
    %jit3A = arith.constant 0.000000e+00 : f32
    %broadcast_in_dim3A_23 = vector.shape_cast %broadcast_in_dim3A : vector<8x64x1xf32> to vector<8x64x1xf32>
    %broadcast_in_dim3A_24 = vector.broadcast %broadcast_in_dim3A_23 : vector<8x64x1xf32> to vector<8x64x64xf32>
    %broadcast_in_dim3A_25 = vector.broadcast %jit3A : f32 to vector<8x64x64xf32>
    %select_n3A = arith.select %eq3A, %broadcast_in_dim3A_24, %broadcast_in_dim3A_25 : vector<8x64x64xi1>, vector<8x64x64xf32>
    %add3A_26 = arith.addf %dot_general3A_13, %select_n3A : vector<8x64x64xf32>
    %scan3A = arith.constant 0 : i32
    %scan3A_27 = arith.constant 64 : i32
    %scan3A_28 = arith.addi %scan3A, %scan3A_27 : i32
    %scan3A_29 = arith.constant 1 : i32
    %scan3A_30 = scf.for %scan3A_39 = %scan3A to %scan3A_28 step %scan3A_29 iter_args(%scan3A_40 = %add3A_26) -> (vector<8x64x64xf32>)  : i32 {
      %eq3A_41 = vector.broadcast %scan3A_39 : i32 to vector<8x64x64xi32>
      %eq3A_42 = arith.cmpi eq, %iota3A, %eq3A_41 : vector<8x64x64xi32>
      %eq3A_43 = vector.broadcast %scan3A_39 : i32 to vector<8x64x64xi32>
      %eq3A_44 = arith.cmpi eq, %iota3A_22, %eq3A_43 : vector<8x64x64xi32>
      %and3A = arith.andi %eq3A_42, %eq3A_44 : vector<8x64x64xi1>
      %jit3A_45 = arith.constant 0.000000e+00 : f32
      %broadcast_in_dim3A_46 = vector.broadcast %jit3A_45 : f32 to vector<8x64x64xf32>
      %select_n3A_47 = arith.select %and3A, %scan3A_40, %broadcast_in_dim3A_46 : vector<8x64x64xi1>, vector<8x64x64xf32>
      %reduce_sum3A = arith.constant dense<0.000000e+00> : vector<8xf32>
      %reduce_sum3A_48 = vector.multi_reduction <add>, %select_n3A_47, %reduce_sum3A [1, 2] : vector<8x64x64xf32> to vector<8xf32>
      %broadcast_in_dim3A_49 = vector.shape_cast %reduce_sum3A_48 : vector<8xf32> to vector<8x1x1xf32>
      %rsqrt3A = math.rsqrt %broadcast_in_dim3A_49 : vector<8x1x1xf32>
      %mul3A_50 = arith.mulf %broadcast_in_dim3A_49, %rsqrt3A : vector<8x1x1xf32>
      %eq3A_51 = vector.broadcast %scan3A_39 : i32 to vector<8x64x64xi32>
      %eq3A_52 = arith.cmpi eq, %iota3A_22, %eq3A_51 : vector<8x64x64xi32>
      %jit3A_53 = arith.constant 0.000000e+00 : f32
      %broadcast_in_dim3A_54 = vector.broadcast %jit3A_53 : f32 to vector<8x64x64xf32>
      %select_n3A_55 = arith.select %eq3A_52, %scan3A_40, %broadcast_in_dim3A_54 : vector<8x64x64xi1>, vector<8x64x64xf32>
      %reduce_sum3A_56 = arith.constant dense<0.000000e+00> : vector<8x64xf32>
      %reduce_sum3A_57 = vector.multi_reduction <add>, %select_n3A_55, %reduce_sum3A_56 [2] : vector<8x64x64xf32> to vector<8x64xf32>
      %broadcast_in_dim3A_58 = vector.shape_cast %reduce_sum3A_57 : vector<8x64xf32> to vector<8x64x1xf32>
      %slice3A = vector.extract_strided_slice %iota3A {offsets = [0, 0, 0], sizes = [8, 64, 1], strides = [1, 1, 1]} : vector<8x64x64xi32> to vector<8x64x1xi32>
      %gt3A = vector.broadcast %scan3A_39 : i32 to vector<8x64x1xi32>
      %gt3A_59 = arith.cmpi sgt, %slice3A, %gt3A : vector<8x64x1xi32>
      %mul3A_60 = vector.broadcast %rsqrt3A : vector<8x1x1xf32> to vector<8x64x1xf32>
      %mul3A_61 = arith.mulf %broadcast_in_dim3A_58, %mul3A_60 : vector<8x64x1xf32>
      %jit3A_62 = arith.constant 0.000000e+00 : f32
      %broadcast_in_dim3A_63 = vector.broadcast %jit3A_62 : f32 to vector<8x64x1xf32>
      %select_n3A_64 = arith.select %gt3A_59, %mul3A_61, %broadcast_in_dim3A_63 : vector<8x64x1xi1>, vector<8x64x1xf32>
      %transpose3A = tpu.transpose %select_n3A_64, [0, 2, 1] : vector<8x64x1xf32> -> vector<8x1x64xf32>
      %mul3A_65 = vector.broadcast %select_n3A_64 : vector<8x64x1xf32> to vector<8x64x64xf32>
      %mul3A_66 = vector.broadcast %transpose3A : vector<8x1x64xf32> to vector<8x64x64xf32>
      %mul3A_67 = arith.mulf %mul3A_65, %mul3A_66 : vector<8x64x64xf32>
      %sub3A = arith.subf %scan3A_40, %mul3A_67 : vector<8x64x64xf32>
      %eq3A_68 = vector.broadcast %scan3A_39 : i32 to vector<8x64x1xi32>
      %eq3A_69 = arith.cmpi eq, %slice3A, %eq3A_68 : vector<8x64x1xi32>
      %broadcast_in_dim3A_70 = vector.shape_cast %mul3A_50 : vector<8x1x1xf32> to vector<8x1x1xf32>
      %broadcast_in_dim3A_71 = vector.broadcast %broadcast_in_dim3A_70 : vector<8x1x1xf32> to vector<8x64x1xf32>
      %select_n3A_72 = arith.select %eq3A_69, %broadcast_in_dim3A_71, %select_n3A_64 : vector<8x64x1xi1>, vector<8x64x1xf32>
      %eq3A_73 = vector.broadcast %scan3A_39 : i32 to vector<8x64x64xi32>
      %eq3A_74 = arith.cmpi eq, %iota3A_22, %eq3A_73 : vector<8x64x64xi32>
      %broadcast_in_dim3A_75 = vector.shape_cast %select_n3A_72 : vector<8x64x1xf32> to vector<8x64x1xf32>
      %broadcast_in_dim3A_76 = vector.broadcast %broadcast_in_dim3A_75 : vector<8x64x1xf32> to vector<8x64x64xf32>
      %select_n3A_77 = arith.select %eq3A_74, %broadcast_in_dim3A_76, %sub3A : vector<8x64x64xi1>, vector<8x64x64xf32>
      scf.yield %select_n3A_77 : vector<8x64x64xf32>
    }
    %scan3A_31 = arith.constant 64 : i32
    %ge3A = arith.cmpi sge, %iota3A, %iota3A_22 : vector<8x64x64xi32>
    %jit3A_32 = arith.constant 0.000000e+00 : f32
    %broadcast_in_dim3A_33 = vector.broadcast %jit3A_32 : f32 to vector<8x64x64xf32>
    %select_n3A_34 = arith.select %ge3A, %scan3A_30, %broadcast_in_dim3A_33 : vector<8x64x64xi1>, vector<8x64x64xf32>
    %swap3A_35 = arith.constant 0 : index
    %swap3A_36 = arith.constant 0 : index
    %swap3A_37 = arith.constant 0 : index
    %swap3A_38 = vector.load %arg4[%swap3A_35, %swap3A_36, %swap3A_37] : memref<8x64x64xf32, #tpu.memory_space<vmem>>, vector<8x64x64xf32>
    tpu.vector_store %arg4[%swap3A_35, %swap3A_36, %swap3A_37], %select_n3A_34 {strides = array<i32>} : memref<8x64x64xf32, #tpu.memory_space<vmem>>, vector<8x64x64xf32>,
    return
  }
}

</mosaic_0001>

<sc_bundles>
// kernel: kernel.4.cloned.1.call-start
scs
__scs_entry_jumppad:
0x0: {  	(pc) =	sbr.rel $0x88, $3  }
0x1: {  	(tag) =	ssettag $0x0;
	lr =	simm.s32 $0x1  }
0x2: {  	[smem:$0x3F9C] =	sst lr;
	_ =	strace $0xD0000000  }
0x3: {  	_ = 	snop  }
0x4: {  	_ = 	snop  }
0x5: {  	_ = 	snop  }
0x6: {  	_ = 	snop  }
0x7: {  	_ = 	snop  }
__scs_overlays_trampoline_lowered:
0x8: {  	[smem:$0x3FAB] =	sst s0  }
0x9: {  	[smem:$0x3FAC] =	sst s1  }
0xa: {  	[smem:$0x3FAD] =	sst s2  }
0xb: {  	[smem:$0x3FAE] =	sst s3  }
0xc: {  	[smem:$0x3FAF] =	sst s4  }
0xd: {  	[smem:$0x3FB0] =	sst s5  }
0xe: {  	[smem:$0x3FB1] =	sst s6  }
0xf: {  	[smem:$0x3FB2] =	sst s7  }
0x10: {  	[smem:$0x3FB3] =	sst s8  }
0x11: {  	[smem:$0x3FB4] =	sst s9;
	s0 =	simm.s32 @!p0 $0x0  }
0x12: {  	s1 =	sld [smem:$0x3F9A];
	s0 =	simm.s32 @p0 $0x1  }
0x13: {  	[smem:$0x3FB5] =	sst s0;
	s0 =	simm.s32 @!p1 $0x0  }
0x14: {  	s2 =	sld [smem:$0x3F99];
	s0 =	simm.s32 @p1 $0x1  }
0x15: {  	[smem:$0x3FB6] =	sst s0;
	s0 =	simm.s32 @!p2 $0x0  }
0x16: {  	s3 =	sld [smem:$0x3FDB];
	s0 =	simm.s32 @p2 $0x1  }
0x17: {  	s4 =	simm.s32 $0x1BF5;
	[smem:$0x3FB8] =	sst s0  }
0x18: {  	s0 =	sld [smem:$0x3F9B];
	_ =	swait.ge [sflag:s4], $0x0  }
0x19: {  	s7 =	sld [smem:$0x3F9C]  }
0x1a: {  	s8 =	sadd.s32 $0xFFFFE003, lr  }
0x1b: {  	s9 =	sadd.s32 $0xFFFFFEF7, lr;
	s5 =	simm.s32 $0xFFFFFFFF;
	p2 =	slt.u32 s8, $0xFFFFF086  }
0x1c: {  	p1 =	slt.u32 s9, $0xF7A;
	s5 =	simm.s32 @!p2 $0x0  }
0x1d: {  	s5 =	simm.s32 @p1 $0x1;
	p0 =	seq.s32 s7, s2  }
0x1e: {  	s7 =	smul.u32 @!p0 $0xF7A, s2;
	p2 =	seq.s32 @!p0 s5, $0x0  }
0x1f: {  	s9 =	smul.u32 $0xF7A, s1;
	s8 =	simm.s32 @!p0 $0x1BF5;
	p2 =	por !p2, p0  }
0x20: {  	[sflag:s8] =	ssyncset.s32 @!p0 $0xFFFFF086;
	s6 =	sadd.s32 @!p0 s3, s7;
	s7 =	simm.s32 @!p0 $0x108  }
0x21: {  	s3 =	sadd.s32 s3, s9;
	s6 =	sadd.s32 @!p0 $0x88, s6;
	s7 =	simm.s32 @p2 $0x1082  }
0x22: {  	[simem:s7], [sflag:s8] =	dma.local @!p0 [hbm:s6], $0xF7A  }
0x23: {  	s9 =	sor.u32 $0xD0000000, s2;
	s6 =	simm.s32 $0x108;
	_ =	swait.ge @!p0 [sflag:s8], $0x0  }
0x24: {  	s3 =	sadd.s32 $0x88, s3;
	s6 =	simm.s32 @!p1 $0x1082;
	[sflag:s4] =	ssyncset.s32 $0xFFFFF086  }
0x25: {  	[simem:s6], [sflag:s4] =	dma.local [hbm:s3], $0xF7A  }
0x26: {  	[smem:$0x3F9C] =	sst s1;
	(tag) =	ssettag s2;
	_ =	strace s9  }
0x27: {  	s1 =	sld [smem:$0x3FAC]  }
0x28: {  	s2 =	sld [smem:$0x3FAD]  }
0x29: {  	s4 =	sld [smem:$0x3FAF]  }
0x2a: {  	p0 =	seq.s32 s5, $0x0;
	s5 =	sld [smem:$0x3FB0]  }
0x2b: {  	s6 =	sld [smem:$0x3FB1]  }
0x2c: {  	s7 =	sld [smem:$0x3FB2]  }
0x2d: {  	s3 =	simm.s32 $0x108;
	s8 =	sld [smem:$0x3FB3]  }
0x2e: {  	s3 =	simm.s32 @!p0 $0x1082;
	s9 =	sld [smem:$0x3FB4]  }
0x2f: {  	lr =	sadd.s32 s0, s3;
	s0 =	sld [smem:$0x3FAB]  }
0x30: {  	s3 =	sld [smem:$0x3FAE]  }
0x31: {  	[smem:$0x3FB7] =	sst s10  }
0x32: {  	s10 =	sld [smem:$0x3FB5];
	_ =	sdelay $0x3  }
0x33: {  	p0 =	seq.s32 s10, $0x1;
	s10 =	sld [smem:$0x3FB7];
	_ =	sdelay $0x3  }
0x34: {  	[smem:$0x3FB7] =	sst s10  }
0x35: {  	s10 =	sld [smem:$0x3FB6];
	_ =	sdelay $0x3  }
0x36: {  	p1 =	seq.s32 s10, $0x1;
	s10 =	sld [smem:$0x3FB7];
	_ =	sdelay $0x3  }
0x37: {  	[smem:$0x3FB7] =	sst s10  }
0x38: {  	s10 =	sld [smem:$0x3FB8]  }
0x39: {  	_ = 	snop;
	(pc) =	sbr.ind lr, $3  }
0x3a: {  	_ = 	snop  }
0x3b: {  	_ = 	snop  }
0x3c: {  	p2 =	seq.s32 s10, $0x1;
	s10 =	sld [smem:$0x3FB7]  }
0x3d: {  	_ =	shalt  }
0x3e: {  	_ =	shalt  }
0x3f: {  	_ =	shalt  }
0x40: {  	_ =	shalt  }
0x41: {  	_ =	shalt  }
0x42: {  	_ =	shalt  }
0x43: {  	_ =	shalt  }
0x44: {  	_ =	shalt  }
0x45: {  	_ =	shalt  }
0x46: {  	_ =	shalt  }
0x47: {  	_ =	shalt  }
0x48: {  	_ =	shalt  }
0x49: {  	_ =	shalt  }
0x4a: {  	_ =	shalt  }
0x4b: {  	_ =	shalt  }
0x4c: {  	_ =	shalt  }
0x4d: {  	_ =	shalt  }
0x4e: {  	_ =	shalt  }
0x4f: {  	_ =	shalt  }
0x50: {  	_ =	shalt  }
0x51: {  	_ =	shalt  }
0x52: {  	_ =	shalt  }
0x53: {  	_ =	shalt  }
0x54: {  	_ =	shalt  }
0x55: {  	_ =	shalt  }
0x56: {  	_ =	shalt  }
0x57: {  	_ =	shalt  }
0x58: {  	_ =	shalt  }
0x59: {  	_ =	shalt  }
0x5a: {  	_ =	shalt  }
0x5b: {  	_ =	shalt  }
0x5c: {  	_ =	shalt  }
0x5d: {  	_ =	shalt  }
0x5e: {  	_ =	shalt  }
0x5f: {  	_ =	shalt  }
0x60: {  	_ =	shalt  }
0x61: {  	_ =	shalt  }
0x62: {  	_ =	shalt  }
0x63: {  	_ =	shalt  }
0x64: {  	_ =	shalt  }
0x65: {  	_ =	shalt  }
0x66: {  	_ =	shalt  }
0x67: {  	_ =	shalt  }
0x68: {  	_ =	shalt  }
0x69: {  	_ =	shalt  }
0x6a: {  	_ =	shalt  }
0x6b: {  	_ =	shalt  }
0x6c: {  	_ =	shalt  }
0x6d: {  	_ =	shalt  }
0x6e: {  	_ =	shalt  }
0x6f: {  	_ =	shalt  }
0x70: {  	_ =	shalt  }
0x71: {  	_ =	shalt  }
0x72: {  	_ =	shalt  }
0x73: {  	_ =	shalt  }
0x74: {  	_ =	shalt  }
0x75: {  	_ =	shalt  }
0x76: {  	_ =	shalt  }
0x77: {  	_ =	shalt  }
0x78: {  	_ =	shalt  }
0x79: {  	_ =	shalt  }
0x7a: {  	_ =	shalt  }
0x7b: {  	_ =	shalt  }
0x7c: {  	_ =	shalt  }
0x7d: {  	_ =	shalt  }
0x7e: {  	_ =	shalt  }
0x7f: {  	_ =	shalt  }
0x80: {  	_ =	shalt  }
0x81: {  	_ =	shalt  }
0x82: {  	_ =	shalt  }
0x83: {  	_ =	shalt  }
0x84: {  	_ =	shalt  }
0x85: {  	_ =	shalt  }
0x86: {  	_ =	shalt  }
0x87: {  	_ =	shalt  }
.Lfunc_end0:
.L_simem_size_0:
called_computation_lowered:
.L_overlay_start_0:
0x88: {  	s2 =	sld [smem:$0x3FD9]  }
0x89: {  	s3 =	sld [smem:$0x3FFE];
	_ =	sdelay $0x1  }
0x8a: {  	s1 =	srdreg.scid  }
0x8b: {  	s0 =	sand.u32 $0x1, s1  }
0x8c: {  	s14 =	sshll.u32 s0, $0xA;
	s2 =	sadd.s32 s3, s2  }
0x8d: {  	s2 =	sadd.s32 s2, s14  }
0x8e: {  	[smem:$0x3FC3] =	sst s2  }
0x8f: {  	_ = 	snop  }
0x90: {  	s2 =	sld [smem:$0x3FD0];
	_ =	sdelay $0x2  }
0x91: {  	s15 =	simm.s32 $0xA;
	s4 =	simm.s32 $0x10  }
0x92: {  	[smem:s4], [sflag:s15] =	dma.local [hbm:s2], $0x1  }
0x93: {  	_ =	swait.eq [sflag:s15], $0x1  }
0x94: {  	[sflag:s15] =	ssyncset.done $0x0  }
0x95: {  	s16 =	sld [smem:$0x10];
	[sflag:s15] =	ssyncadd.s32 $0xFFFFFFFF  }
0x96: {  	s17 =	sld [smem:$0x11];
	(tm) =	ssettm $0x1  }
0x97: {  	s18 =	sld [smem:$0x3FFB];
	_ =	sdelay $0x3  }
0x98: {  	_ =	strace s18  }
0x99: {  	s4 =	sld [smem:$0x3FFC];
	_ =	sdelay $0x3  }
0x9a: {  	_ =	strace s4  }
0x9b: {  	s4 =	sld [smem:$0x3FFD];
	_ =	sdelay $0x3  }
0x9c: {  	_ =	strace s4  }
0x9d: {  	_ =	strace $0x8FFFFFFF  }
0x9e: {  	s19 =	sld [smem:$0x3FDB];
	_ =	sdelay $0x1  }
0x9f: {  	s5 =	simm.s32 $_scs_section_size  }
0xa0: {  	s6 =	simm.s32 $_size__tile_overlayer_lowered;
	s7 =	simm.s32 $_tile_overlayer_lowered  }
0xa1: {  	s22 =	simm.s32 $0x1BFF;
	s21 =	sshll.u32 s7, $0x1;
	s4 =	sadd.s32 s5, s19  }
0xa2: {  	s8 =	simm.s32 $0x0;
	s20 =	sshll.u32 s6, $0x1;
	s6 =	sadd.s32 s21, s4  }
0xa3: {  	[timem:s8], [sflag:s22] =	dma.local [hbm:s6], s20  }
0xa4: {  	_ =	swait.ge [sflag:s22], s20  }
0xa5: {  	s5 =	ssub.s32 $0x0, s20;
	[sflag:s22] =	ssyncset.done $0x0  }
0xa6: {  	[sflag:s22] =	ssyncadd.s32 s5;
	_ =	sdelay $0x1  }
0xa7: {  	s23 =	simm.s32 $0x1B8B  }
0xa8: {  	_ =	swait.ge [sflag:s23], $0x1  }
0xa9: {  	[sflag:s23] =	ssyncset.done $0x0  }
0xaa: {  	s25 =	simm.s32 $0x1B8E;
	s24 =	sld [smem:$0x3FFE];
	[sflag:s23] =	ssyncadd.s32 $0xFFFFFFFF  }
0xab: {  	s26 =	simm.s32 $execute0_lowered;
	[smem:$0x3FD2] =	sst s25  }
0xac: {  	s6 =	sshll.u32 s26, $0x1;
	_ =	strace $0x80000046;
	[dreg:$0x1] =	wrdreg $0xFFFFFFFF  }
0xad: {  	s28 =	simm.s32 $_size_execute0_lowered;
	s4 =	sadd.s32 s4, s6;
	[dreg:$0x0] =	wrdreg $0x0  }
0xae: {  	s6 =	sshll.u32 s28, $0x1;
	[dreg:$0x2] =	wrdreg s4  }
0xaf: {  	[dreg:$0x3] =	wrdreg s6  }
0xb0: {  	[dreg:$0x4] =	wrdreg $0xC0  }
0xb1: {  	_ =	task [dreg:s8], $0x5FFFF  }
0xb2: {  	[dreg:$0x1] =	wrdreg $0xFFFFFFFF  }
0xb3: {  	[dreg:$0x0] =	wrdreg $0x60  }
0xb4: {  	[dreg:$0x2] =	wrdreg s24  }
0xb5: {  	[dreg:$0x3] =	wrdreg s16  }
0xb6: {  	[dreg:$0x4] =	wrdreg s17  }
0xb7: {  	[dreg:$0x5] =	wrdreg $0x9  }
0xb8: {  	_ =	task.clear_ibuf [dreg:s8], $0x6FFFF;
	_ =	strace $0x90000046  }
0xb9: {  	s29 =	simm.s32 $0x9;
	_ =	strace $0x80000048  }
0xba: {  	_ =	swait.ge [sflag:s29], $0x1  }
0xbb: {  	[sflag:s29] =	ssyncadd.s32 $0xFFFFFFFF  }
0xbc: {  	_ =	strace $0x90000048  }
0xbd: {  	_ =	sfence  }
0xbe: {  	s30 =	sld [smem:$0x0];
	_ =	sdelay $0x2  }
0xbf: {  	s31 =	sshll.u32 s1, $0xD;
	s1 =	sshrl.u32 s1, $0x2  }
0xc0: {  	s3 =	sand.u32 $0x4000, s31;
	s1 =	sadd.s32 s1, s30  }
0xc1: {  	s0 =	sor.u32 s3, s0;
	s1 =	sshll.u32 s1, $0x11  }
0xc2: {  	s0 =	sor.u32 s1, s0  }
0xc3: {  	s0 =	sadd.s32 $0x8F2B, s0  }
0xc4: {  	[sflag:s0] =	ssyncadd.remote.s32 $0x1  }
0xc5: {  	_ =	sfence.sel $0xFFFF  }
0xc6: {  	[dreg:$0x0] =	wrdreg $0xFFFFFFFF;
	(pc) =	sbr.abs _section_cstart, $3  }
0xc7: {  	[dreg:$0x1] =	wrdreg $0xFFFFFFFF  }
0xc8: {  	_ =	task.clear_ibuf [dreg:s8], $0x2FFFF;
	_ =	strace $0x9FFFFFFF  }
0xc9: {  	(tm) =	ssettm $0x7FFFFFFF  }
tec
execute0_lowered:
.L_overlay_start_1:
0x0: {  	(tag) =	ssettag $0x1  }
0x1: {  	s0 =	rddreg [dreg:$0x0]  }
0x2: {  	s25 =	rddreg [dreg:$0x1]  }
0x3: {  	s2 =	rddreg [dreg:$0x2];
	s3 =	srdreg.scid  }
0x4: {  	s4 =	simm.s32 $0x0;
	s1 =	stileid.u32;
	s14 =	simm.s32 $0x1  }
0x5: {  	s3 =	sand.u32 $0x1, s3;
	[smem:$0x7FF] =	sst s4;
	s23 =	sshll.u32 s1, $0xA  }
0x6: {  	s6 =	sadd.s32 $0x1A00, s0;
	s24 =	sshll.u32 s1, $0x13;
	s5 =	sshll.u32 s3, $0x9  }
0x7: {  	_ =	strace $0x80000047;
	s7 =	ssub.s32 $0x2, s3;
	s4 =	sor.u32 s5, s23  }
0x8: {  	s26 =	sshrl.u32 s7, $0x1;
	s5 =	sshrl.u32 s4, $0x3;
	s4 =	sshll.u32 s4, $0x4  }
0x9: {  	[dreg:$0xd] =	wrdreg s6;
	s6 =	ssub.s32 s7, s26;
	s2 =	sadd.s32 s2, s4  }
0xa: {  	s5 =	sadd.s32 s5, s0;
	s30 =	smax.u32 s6, $0x1;
	[dreg:$0xf] =	wrdreg s2  }
0xb: {  	s31 =	sshll.u32 s1, $0x6;
	s5 =	sadd.s32 $0x1200, s5;
	[dreg:$0x13] =	wrdreg s30  }
0xc: {  	s3 =	sshll.u32 s3, $0x12;
	s28 =	sadd.s32 $0x800, s2;
	[dreg:$0xe] =	wrdreg s5  }
0xd: {  	s0 =	sadd.s32 s24, s0;
	s29 =	sadd.s32 $0x1000, s2;
	[dreg:$0x10] =	wrdreg s28  }
0xe: {  	s0 =	sadd.s32 s3, s0;
	s2 =	sadd.s32 $0x1800, s2;
	[dreg:$0x11] =	wrdreg s29  }
0xf: {  	s1 =	simm.s32 $0x0;
	s0 =	sadd.s32 $0x1C00, s0;
	[dreg:$0x12] =	wrdreg s2  }
0x10: {  	s17 =	sor.u32 $0x1C01, s31;
	s24 =	simm.s32 $0x80;
	[dreg:$0x4] =	wrdreg s0  }
.LBB2_1:
0x11: {  	[dreg:$0x14] =	wrdreg s1  }
0x12: {  	s0 =	simm.s32 $0x0;
	s16 =	rddreg [dreg:$0xe];
	s3 =	simm.s32 $0x2  }
0x13: {  	[tilespmem:s0], [sflag:$0x2] =	stream.linear.gather [hbm4b:s16+s0], $0x200, $0x38;
	[tilespmem:$0x4200] =	vst v63  }
0x14: {  	_ =	swait.ge [sflag:s3], $0x200  }
0x15: {  	[sflag:s3] =	ssyncset.done $0x0  }
0x16: {  	s4 =	simm.s32 $0x200;
	s18 =	rddreg [dreg:$0xd];
	[sflag:s3] =	ssyncadd.s32 $0xFFFFFE00  }
0x17: {  	[tilespmem:s4], [sflag:$0x1] =	stream.indirect.gather [hbm4b:s18+s24], $0x80, s0, s24, $0xb8;
	[tilespmem:$0x4200] =	vst v63  }
0x18: {  	_ =	swait.ge [sflag:s14], $0x4000  }
0x19: {  	[sflag:s14] =	ssyncset.done $0x0  }
0x1a: {  	s2 =	rddreg [dreg:$0xf];
	[sflag:s14] =	ssyncadd.s32 $0xFFFFC000  }
0x1b: {  	[hbm4b:s2+s0] =	stream.linear.scatter [tilespmem:s4], [sflag:$0x2], $0x4000, $0x38;
	[tilespmem:$0x4200] =	vst v63  }
0x1c: {  	_ =	swait.ge [sflag:s3], $0x4000  }
0x1d: {  	[sflag:s3] =	ssyncset.done $0x0  }
0x1e: {  	[sflag:s3] =	ssyncadd.s32 $0xFFFFC000  }
0x1f: {  	[tilespmem:s4], [sflag:$0x1] =	stream.indirect.gather [hbm4b:s18+s24], $0x80, s24, s24, $0xb8;
	[tilespmem:$0x4200] =	vst v63  }
0x20: {  	_ =	swait.ge [sflag:s14], $0x4000  }
0x21: {  	[sflag:s14] =	ssyncset.done $0x0  }
0x22: {  	s19 =	rddreg [dreg:$0x10];
	[sflag:s14] =	ssyncadd.s32 $0xFFFFC000  }
0x23: {  	[hbm4b:s19+s0] =	stream.linear.scatter [tilespmem:s4], [sflag:$0x2], $0x4000, $0x38;
	[tilespmem:$0x4200] =	vst v63  }
0x24: {  	_ =	swait.ge [sflag:s3], $0x4000  }
0x25: {  	[sflag:s3] =	ssyncset.done $0x0  }
0x26: {  	s20 =	simm.s32 $0x100;
	[sflag:s3] =	ssyncadd.s32 $0xFFFFC000  }
0x27: {  	[tilespmem:s4], [sflag:$0x1] =	stream.indirect.gather [hbm4b:s18+s24], $0x80, s20, s24, $0xb8;
	[tilespmem:$0x4200] =	vst v63  }
0x28: {  	_ =	swait.ge [sflag:s14], $0x4000  }
0x29: {  	[sflag:s14] =	ssyncset.done $0x0  }
0x2a: {  	s21 =	rddreg [dreg:$0x11];
	[sflag:s14] =	ssyncadd.s32 $0xFFFFC000  }
0x2b: {  	[hbm4b:s21+s0] =	stream.linear.scatter [tilespmem:s4], [sflag:$0x2], $0x4000, $0x38;
	[tilespmem:$0x4200] =	vst v63  }
0x2c: {  	_ =	swait.ge [sflag:s3], $0x4000  }
0x2d: {  	[sflag:s3] =	ssyncset.done $0x0  }
0x2e: {  	s22 =	simm.s32 $0x180;
	[sflag:s3] =	ssyncadd.s32 $0xFFFFC000  }
0x2f: {  	[tilespmem:s4], [sflag:$0x1] =	stream.indirect.gather [hbm4b:s18+s24], $0x80, s22, s24, $0xb8;
	[tilespmem:$0x4200] =	vst v63  }
0x30: {  	_ =	swait.ge [sflag:s14], $0x4000  }
0x31: {  	[sflag:s14] =	ssyncset.done $0x0  }
0x32: {  	s23 =	rddreg [dreg:$0x12];
	[sflag:s14] =	ssyncadd.s32 $0xFFFFC000  }
0x33: {  	[hbm4b:s23+s0] =	stream.linear.scatter [tilespmem:s4], [sflag:$0x2], $0x4000, $0x38;
	[tilespmem:$0x4200] =	vst v63  }
0x34: {  	_ =	swait.ge [sflag:s3], $0x4000  }
0x35: {  	[sflag:s3] =	ssyncset.done $0x0  }
0x36: {  	[sflag:s3] =	ssyncadd.s32 $0xFFFFC000  }
0x37: {  	v0 =	vld [tilespmem:s0+$0x0];
	_ =	sdelay $0x4  }
0x38: {  	(v2sf) =	vpush v0, $0xF;
	_ =	sdelay $0x4  }
0x39: {  	(v2sf) =	vpush v0, $0x3  }
0x3a: {  	(v2sf) =	vpush v0, $0xE  }
0x3b: {  	(v2sf) =	vpush v0, $0x9  }
0x3c: {  	(v2sf) =	vpush v0, $0x0  }
0x3d: {  	(v2sf) =	vpush v0, $0xD  }
0x3e: {  	s24 =	rddreg [dreg:$0x4];
	(v2sf) =	vpush v0, $0x1  }
0x3f: {  	s26 =	simm.s32 $0x2000;
	s19 =	sadd.s32 $0x0, s24;
	(v2sf) =	vpush v0, $0xA  }
0x40: {  	s30 =	simm.s32 $0x10;
	s18 =	sadd.s32 $0x70, s19;
	s12 =	sadd.s32 $0x1030, s19;
	(v2sf) =	vpush v0, $0xB  }
0x41: {  	s0 =	sadd.s32 $0x20, s19;
	s31 =	sadd.s32 $0x30, s19;
	s28 =	sadd.s32 $0x40, s19;
	(v2sf) =	vpush v0, $0x4  }
0x42: {  	s20 =	sadd.s32 $0x1000, s19;
	s29 =	sadd.s32 $0x50, s19;
	s21 =	sadd.s32 $0x60, s19;
	(v2sf) =	vpush v0, $0xC  }
0x43: {  	s15 =	sadd.s32 $0x1060, s19;
	s13 =	sadd.s32 $0x1070, s19;
	(v2sf) =	vpush v0, $0x2;
	s16 =	spop (v2sf)  }
.LBB2_2:
0x44: {  	[dreg:$0xc] =	wrdreg s12  }
0x45: {  	[dreg:$0xb] =	wrdreg s21  }
0x46: {  	[dreg:$0xa] =	wrdreg s20  }
0x47: {  	[dreg:$0x9] =	wrdreg s18  }
0x48: {  	[dreg:$0x8] =	wrdreg s15  }
0x49: {  	[dreg:$0x7] =	wrdreg s13;
	s4 =	sshll.u32 s16, $0xC;
	s5 =	sshll.u32 s16, $0x7  }
0x4a: {  	s1 =	sadd.s32 $0x1040, s19;
	s18 =	sand.u32 $0x380, s5;
	s4 =	sand.u32 $0xFFFF8000, s4  }
0x4b: {  	s15 =	sadd.s32 $0x1050, s19;
	[dreg:$0x6] =	wrdreg s1;
	s4 =	sor.u32 s18, s4  }
0x4c: {  	[dreg:$0x5] =	wrdreg s15;
	s4 =	sshrl.u32 s4, $0x3;
	s3 =	spop (v2sf)  }
0x4d: {  	s8 =	spop (v2sf);
	s6 =	sshll.u32 s3, $0xC;
	s3 =	sshll.u32 s3, $0x7  }
0x4e: {  	s7 =	spop (v2sf);
	s6 =	sand.u32 $0xFFFF8000, s6;
	s3 =	sand.u32 $0x380, s3  }
0x4f: {  	s10 =	sshll.u32 s8, $0x7;
	s8 =	sshll.u32 s8, $0xC;
	s9 =	spop (v2sf)  }
0x50: {  	s3 =	sor.u32 s3, s6;
	s22 =	sshll.u32 s7, $0xC;
	s7 =	sshll.u32 s7, $0x7  }
0x51: {  	s10 =	sand.u32 $0x380, s10;
	s8 =	sand.u32 $0xFFFF8000, s8;
	s21 =	spop (v2sf)  }
0x52: {  	s2 =	sshll.u32 s9, $0xC;
	s9 =	sshll.u32 s9, $0x7;
	s20 =	sand.u32 $0xFFFF8000, s22  }
0x53: {  	(v2sf) =	vpush v0, $0x8;
	s16 =	sshrl.u32 s3, $0x3;
	s7 =	sand.u32 $0x380, s7;
	s11 =	sshll.u32 s21, $0x7  }
0x54: {  	s12 =	sand.u32 $0xFFFF8000, s2;
	s2 =	spop (v2sf);
	s21 =	sshll.u32 s21, $0xC  }
0x55: {  	s9 =	sand.u32 $0x380, s9;
	s20 =	sor.u32 s7, s20;
	s16 =	sadd.s32 s25, s16  }
0x56: {  	s11 =	sand.u32 $0x380, s11;
	s23 =	sshll.u32 s2, $0xC;
	s24 =	spop (v2sf)  }
0x57: {  	s2 =	sshll.u32 s2, $0x7;
	s9 =	sor.u32 s9, s12;
	s21 =	sand.u32 $0xFFFF8000, s21  }
0x58: {  	s15 =	sand.u32 $0xFFFF8000, s23;
	s1 =	sshll.u32 s24, $0x7;
	s22 =	spop (v2sf)  }
0x59: {  	s3 =	sshll.u32 s24, $0xC;
	s9 =	sshrl.u32 s9, $0x3;
	s2 =	sand.u32 $0x380, s2  }
0x5a: {  	s7 =	sor.u32 s11, s21;
	s21 =	sor.u32 s10, s8;
	s10 =	sshrl.u32 s20, $0x3  }
0x5b: {  	s5 =	sand.u32 $0x380, s1;
	s6 =	spop (v2sf);
	s23 =	sshll.u32 s22, $0x7;
	(v2sf) =	vpush v0, $0x6  }
0x5c: {  	s3 =	sand.u32 $0xFFFF8000, s3;
	s22 =	sshll.u32 s22, $0xC;
	s2 =	sor.u32 s2, s15  }
0x5d: {  	s9 =	sadd.s32 s25, s9;
	s8 =	sadd.s32 s25, s10;
	s10 =	sadd.s32 $0x1010, s19  }
0x5e: {  	s1 =	spop (v2sf);
	s23 =	sand.u32 $0x380, s23;
	s22 =	sand.u32 $0xFFFF8000, s22  }
0x5f: {  	s2 =	sshrl.u32 s2, $0x3;
	s3 =	sor.u32 s5, s3;
	s24 =	spop (v2sf);
	(v2sf) =	vpush v0, $0x5  }
0x60: {  	s12 =	sshll.u32 s1, $0x7;
	s1 =	sshll.u32 s1, $0xC;
	s22 =	sor.u32 s23, s22  }
0x61: {  	s2 =	sadd.s32 s25, s2;
	s23 =	sshll.u32 s6, $0xC;
	s6 =	sshll.u32 s6, $0x7  }
0x62: {  	s3 =	sshrl.u32 s3, $0x3;
	s13 =	sshll.u32 s24, $0x7;
	s11 =	spop (v2sf);
	(v2sf) =	vpush v0, $0x7  }
0x63: {  	s18 =	sand.u32 $0x380, s12;
	s12 =	sadd.s32 $0x10, s19;
	s1 =	sand.u32 $0xFFFF8000, s1  }
0x64: {  	s15 =	sshll.u32 s24, $0xC;
	s24 =	simm.s32 $0x80;
	s6 =	sand.u32 $0x380, s6  }
0x65: {  	s3 =	sadd.s32 s25, s3;
	s15 =	sand.u32 $0xFFFF8000, s15;
	s13 =	sand.u32 $0x380, s13  }
0x66: {  	s1 =	sor.u32 s18, s1;
	s13 =	sor.u32 s13, s15;
	s18 =	sshll.u32 s11, $0xC  }
0x67: {  	[hbm:s19@s24], [sflag:s17] =	dma.strided [hbm:s9@s24], $0x200, s14, $0x10   }
0x68: {  	[hbm:s12@s24], [sflag:s17] =	dma.strided [hbm:s2@s24], $0x200, s14, $0x10   }
0x69: {  	s20 =	sshll.u32 s11, $0x7;
	s18 =	sand.u32 $0xFFFF8000, s18;
	s12 =	sshrl.u32 s21, $0x3  }
0x6a: {  	s2 =	sand.u32 $0x380, s20;
	s20 =	sshrl.u32 s22, $0x3;
	s9 =	spop (v2sf)  }
0x6b: {  	s2 =	sor.u32 s2, s18;
	s11 =	sshll.u32 s9, $0xC;
	s22 =	sshll.u32 s9, $0x7  }
0x6c: {  	s9 =	sadd.s32 s25, s4;
	s4 =	sadd.s32 s25, s20;
	s11 =	sand.u32 $0xFFFF8000, s11  }
0x6d: {  	s21 =	sand.u32 $0x380, s22;
	s22 =	sand.u32 $0xFFFF8000, s23;
	s23 =	sshrl.u32 s13, $0x3  }
0x6e: {  	s18 =	spop (v2sf);
	s15 =	sor.u32 s6, s22;
	s6 =	sadd.s32 s25, s12  }
0x6f: {  	s12 =	sadd.s32 s25, s23;
	s20 =	sshll.u32 s18, $0xC;
	s13 =	sshll.u32 s18, $0x7  }
0x70: {  	s11 =	sor.u32 s21, s11;
	s15 =	sshrl.u32 s15, $0x3;
	s13 =	sand.u32 $0x380, s13  }
0x71: {  	s5 =	sadd.s32 s25, s15;
	s15 =	sand.u32 $0xFFFF8000, s20;
	s22 =	spop (v2sf)  }
0x72: {  	s13 =	sor.u32 s13, s15;
	s23 =	sshll.u32 s22, $0xC;
	s22 =	sshll.u32 s22, $0x7  }
0x73: {  	[hbm:s0@s24], [sflag:s17] =	dma.strided [hbm:s12@s24], $0x200, s14, $0x10   }
0x74: {  	s13 =	sshrl.u32 s13, $0x3;
	s23 =	sand.u32 $0xFFFF8000, s23;
	s15 =	sand.u32 $0x380, s22  }
0x75: {  	[hbm:s31@s24], [sflag:s17] =	dma.strided [hbm:s16@s24], $0x200, s14, $0x10   }
0x76: {  	s11 =	sshrl.u32 s11, $0x3;
	s18 =	sadd.s32 s25, s13;
	s15 =	sor.u32 s15, s23  }
0x77: {  	[hbm:s28@s24], [sflag:s17] =	dma.strided [hbm:s5@s24], $0x200, s14, $0x10   }
0x78: {  	[hbm:s29@s24], [sflag:s17] =	dma.strided [hbm:s18@s24], $0x200, s14, $0x10   }
0x79: {  	s11 =	sadd.s32 s25, s11;
	s0 =	sshrl.u32 s15, $0x3;
	s5 =	rddreg [dreg:$0xb]  }
0x7a: {  	[hbm:s5@s24], [sflag:s17] =	dma.strided [hbm:s11@s24], $0x200, s14, $0x10   }
0x7b: {  	s2 =	sshrl.u32 s2, $0x3;
	s0 =	sadd.s32 s25, s0;
	s20 =	rddreg [dreg:$0x9]  }
0x7c: {  	[hbm:s20@s24], [sflag:s17] =	dma.strided [hbm:s0@s24], $0x200, s14, $0x10   }
0x7d: {  	s2 =	sadd.s32 s25, s2;
	s16 =	sadd.s32 $0x1020, s19;
	s0 =	rddreg [dreg:$0xa]  }
0x7e: {  	[hbm:s0@s24], [sflag:s17] =	dma.strided [hbm:s2@s24], $0x200, s14, $0x10   }
0x7f: {  	[hbm:s10@s24], [sflag:s17] =	dma.strided [hbm:s8@s24], $0x200, s14, $0x10   }
0x80: {  	[hbm:s16@s24], [sflag:s17] =	dma.strided [hbm:s3@s24], $0x200, s14, $0x10   }
0x81: {  	s1 =	sshrl.u32 s1, $0x3;
	s21 =	rddreg [dreg:$0xc]  }
0x82: {  	[hbm:s21@s24], [sflag:s17] =	dma.strided [hbm:s4@s24], $0x200, s14, $0x10   }
0x83: {  	s7 =	sshrl.u32 s7, $0x3;
	s1 =	sadd.s32 s25, s1;
	s0 =	rddreg [dreg:$0x6]  }
0x84: {  	[hbm:s0@s24], [sflag:s17] =	dma.strided [hbm:s1@s24], $0x200, s14, $0x10   }
0x85: {  	s19 =	sadd.s32 s25, s7;
	s0 =	rddreg [dreg:$0x5]  }
0x86: {  	[hbm:s0@s24], [sflag:s17] =	dma.strided [hbm:s19@s24], $0x200, s14, $0x10   }
0x87: {  	s0 =	rddreg [dreg:$0x8]  }
0x88: {  	[hbm:s0@s24], [sflag:s17] =	dma.strided [hbm:s6@s24], $0x200, s14, $0x10   }
0x89: {  	s0 =	rddreg [dreg:$0x7]  }
0x8a: {  	[hbm:s0@s24], [sflag:s17] =	dma.strided [hbm:s9@s24], $0x200, s14, $0x10   }
0x8b: {  	v0 =	vld [tilespmem:s30+$0x0];
	_ =	sdelay $0x4  }
0x8c: {  	(v2sf) =	vpush v0, $0xF;
	_ =	sdelay $0x4  }
0x8d: {  	(v2sf) =	vpush v0, $0x3  }
0x8e: {  	(v2sf) =	vpush v0, $0xE  }
0x8f: {  	(v2sf) =	vpush v0, $0x9  }
0x90: {  	(v2sf) =	vpush v0, $0x0  }
0x91: {  	(v2sf) =	vpush v0, $0xD  }
0x92: {  	p0 =	sne.s32 s26, $0x3E000;
	s22 =	smov.u32 s26;
	s23 =	rddreg [dreg:$0x4];
	(v2sf) =	vpush v0, $0x1  }
.Ltmp0:
0x93: {  	s26 =	sadd.s32 $0x2000, s26;
	s19 =	sadd.s32 s22, s23;
	(v2sf) =	vpush v0, $0xA;
	(pc) =	sbr.rel @p0 .LBB2_2-.Ltmp0, $4  }
0x94: {  	s30 =	sadd.s32 $0x10, s30;
	s18 =	sadd.s32 $0x70, s19;
	s12 =	sadd.s32 $0x1030, s19;
	(v2sf) =	vpush v0, $0xB  }
0x95: {  	s0 =	sadd.s32 $0x20, s19;
	s31 =	sadd.s32 $0x30, s19;
	s28 =	sadd.s32 $0x40, s19;
	(v2sf) =	vpush v0, $0x4  }
0x96: {  	s20 =	sadd.s32 $0x1000, s19;
	s29 =	sadd.s32 $0x50, s19;
	s21 =	sadd.s32 $0x60, s19;
	(v2sf) =	vpush v0, $0xC  }
0x97: {  	s15 =	sadd.s32 $0x1060, s19;
	s13 =	sadd.s32 $0x1070, s19;
	(v2sf) =	vpush v0, $0x2;
	s16 =	spop (v2sf)  }
0x98: {  	_ =	sdelay $0x1  }
0x99: {  	(v2sf) =	vpush v0, $0x8;
	_ =	sdelay $0x1  }
0x9a: {  	s1 =	spop (v2sf)  }
0x9b: {  	s3 =	spop (v2sf)  }
0x9c: {  	s30 =	spop (v2sf);
	(v2sf) =	vpush v0, $0x6  }
0x9d: {  	s4 =	spop (v2sf);
	(v2sf) =	vpush v0, $0x5  }
0x9e: {  	s2 =	spop (v2sf);
	(v2sf) =	vpush v0, $0x7;
	_ =	sdelay $0x1  }
0x9f: {  	s23 =	sadd.s32 $0x10, s19;
	s5 =	sshll.u32 s4, $0xC;
	s4 =	sshll.u32 s4, $0x7  }
0xa0: {  	s6 =	spop (v2sf);
	s8 =	sand.u32 $0xFFFF8000, s5;
	s4 =	sand.u32 $0x380, s4  }
0xa1: {  	s7 =	spop (v2sf);
	s9 =	sshll.u32 s6, $0xC;
	s6 =	sshll.u32 s6, $0x7  }
0xa2: {  	s5 =	spop (v2sf);
	s9 =	sand.u32 $0xFFFF8000, s9;
	s6 =	sand.u32 $0x380, s6  }
0xa3: {  	s4 =	sor.u32 s4, s8;
	s10 =	spop (v2sf);
	s6 =	sor.u32 s6, s9  }
0xa4: {  	s4 =	sshrl.u32 s4, $0x3;
	s26 =	spop (v2sf);
	s6 =	sshrl.u32 s6, $0x3  }
0xa5: {  	s4 =	sadd.s32 s25, s4;
	s22 =	spop (v2sf);
	s6 =	sadd.s32 s25, s6  }
0xa6: {  	s11 =	sshll.u32 s22, $0x7;
	s9 =	spop (v2sf);
	s8 =	sshll.u32 s22, $0xC  }
0xa7: {  	[hbm:s19@s24], [sflag:s17] =	dma.strided [hbm:s4@s24], $0x200, s14, $0x10   }
0xa8: {  	[hbm:s23@s24], [sflag:s17] =	dma.strided [hbm:s6@s24], $0x200, s14, $0x10   }
0xa9: {  	s11 =	sand.u32 $0x380, s11;
	s6 =	sand.u32 $0xFFFF8000, s8  }
0xaa: {  	s4 =	sor.u32 s11, s6;
	s8 =	spop (v2sf)  }
0xab: {  	s22 =	sshll.u32 s1, $0xC;
	s4 =	sshrl.u32 s4, $0x3;
	s6 =	spop (v2sf)  }
0xac: {  	s1 =	sshll.u32 s1, $0x7;
	s4 =	sadd.s32 s25, s4;
	s11 =	spop (v2sf)  }
0xad: {  	[hbm:s0@s24], [sflag:s17] =	dma.strided [hbm:s4@s24], $0x200, s14, $0x10   }
0xae: {  	s1 =	sand.u32 $0x380, s1;
	s0 =	sand.u32 $0xFFFF8000, s22  }
0xaf: {  	s0 =	sor.u32 s1, s0  }
0xb0: {  	s0 =	sshrl.u32 s0, $0x3  }
0xb1: {  	s0 =	sadd.s32 s25, s0  }
0xb2: {  	[hbm:s31@s24], [sflag:s17] =	dma.strided [hbm:s0@s24], $0x200, s14, $0x10   }
0xb3: {  	s23 =	sshll.u32 s10, $0xC;
	s31 =	sshll.u32 s10, $0x7  }
0xb4: {  	s0 =	sand.u32 $0xFFFF8000, s23;
	s1 =	sand.u32 $0x380, s31  }
0xb5: {  	s0 =	sor.u32 s1, s0  }
0xb6: {  	s0 =	sshrl.u32 s0, $0x3  }
0xb7: {  	s4 =	sshll.u32 s6, $0x7;
	s1 =	sshll.u32 s6, $0xC;
	s0 =	sadd.s32 s25, s0  }
0xb8: {  	[hbm:s28@s24], [sflag:s17] =	dma.strided [hbm:s0@s24], $0x200, s14, $0x10   }
0xb9: {  	s0 =	sand.u32 $0xFFFF8000, s1;
	s1 =	sand.u32 $0x380, s4  }
0xba: {  	s0 =	sor.u32 s1, s0  }
0xbb: {  	s0 =	sshrl.u32 s0, $0x3  }
0xbc: {  	s10 =	sshll.u32 s8, $0x7;
	s6 =	sshll.u32 s8, $0xC;
	s0 =	sadd.s32 s25, s0  }
0xbd: {  	[hbm:s29@s24], [sflag:s17] =	dma.strided [hbm:s0@s24], $0x200, s14, $0x10   }
0xbe: {  	s1 =	sand.u32 $0x380, s10;
	s0 =	sand.u32 $0xFFFF8000, s6  }
0xbf: {  	s0 =	sor.u32 s1, s0  }
0xc0: {  	s0 =	sshrl.u32 s0, $0x3  }
0xc1: {  	s0 =	sadd.s32 s25, s0  }
0xc2: {  	[hbm:s21@s24], [sflag:s17] =	dma.strided [hbm:s0@s24], $0x200, s14, $0x10   }
0xc3: {  	s22 =	sshll.u32 s11, $0x7;
	s21 =	sshll.u32 s11, $0xC  }
0xc4: {  	s1 =	sand.u32 $0x380, s22;
	s0 =	sand.u32 $0xFFFF8000, s21  }
0xc5: {  	s0 =	sor.u32 s1, s0  }
0xc6: {  	s0 =	sshrl.u32 s0, $0x3  }
0xc7: {  	s23 =	sshll.u32 s9, $0xC;
	s28 =	sshll.u32 s9, $0x7;
	s0 =	sadd.s32 s25, s0  }
0xc8: {  	[hbm:s18@s24], [sflag:s17] =	dma.strided [hbm:s0@s24], $0x200, s14, $0x10   }
0xc9: {  	s1 =	sand.u32 $0x380, s28;
	s0 =	sand.u32 $0xFFFF8000, s23  }
0xca: {  	s0 =	sor.u32 s1, s0  }
0xcb: {  	s0 =	sshrl.u32 s0, $0x3  }
0xcc: {  	s31 =	sshll.u32 s30, $0x7;
	s29 =	sshll.u32 s30, $0xC;
	s0 =	sadd.s32 s25, s0  }
0xcd: {  	[hbm:s20@s24], [sflag:s17] =	dma.strided [hbm:s0@s24], $0x200, s14, $0x10   }
0xce: {  	s1 =	sand.u32 $0x380, s31;
	s0 =	sand.u32 $0xFFFF8000, s29  }
0xcf: {  	s0 =	sor.u32 s1, s0  }
0xd0: {  	s8 =	sshll.u32 s7, $0xC;
	s0 =	sshrl.u32 s0, $0x3  }
0xd1: {  	s4 =	sadd.s32 $0x1010, s19;
	s6 =	sshll.u32 s7, $0x7;
	s0 =	sadd.s32 s25, s0  }
0xd2: {  	[hbm:s4@s24], [sflag:s17] =	dma.strided [hbm:s0@s24], $0x200, s14, $0x10   }
0xd3: {  	s1 =	sand.u32 $0xFFFF8000, s8;
	s0 =	sand.u32 $0x380, s6  }
0xd4: {  	s0 =	sor.u32 s0, s1  }
0xd5: {  	s9 =	sadd.s32 $0x1020, s19;
	s0 =	sshrl.u32 s0, $0x3  }
0xd6: {  	s10 =	sshll.u32 s5, $0x7;
	s11 =	sshll.u32 s5, $0xC;
	s0 =	sadd.s32 s25, s0  }
0xd7: {  	[hbm:s9@s24], [sflag:s17] =	dma.strided [hbm:s0@s24], $0x200, s14, $0x10   }
0xd8: {  	s1 =	sand.u32 $0xFFFF8000, s11;
	s0 =	sand.u32 $0x380, s10  }
0xd9: {  	s0 =	sor.u32 s0, s1  }
0xda: {  	s0 =	sshrl.u32 s0, $0x3  }
0xdb: {  	s18 =	sshll.u32 s26, $0x7;
	s20 =	sshll.u32 s26, $0xC;
	s0 =	sadd.s32 s25, s0  }
0xdc: {  	[hbm:s12@s24], [sflag:s17] =	dma.strided [hbm:s0@s24], $0x200, s14, $0x10   }
0xdd: {  	s1 =	sand.u32 $0xFFFF8000, s20;
	s0 =	sand.u32 $0x380, s18  }
0xde: {  	s0 =	sor.u32 s0, s1  }
0xdf: {  	s22 =	sshll.u32 s2, $0x7;
	s0 =	sshrl.u32 s0, $0x3  }
0xe0: {  	s21 =	sadd.s32 $0x1040, s19;
	s23 =	sshll.u32 s2, $0xC;
	s0 =	sadd.s32 s25, s0  }
0xe1: {  	[hbm:s21@s24], [sflag:s17] =	dma.strided [hbm:s0@s24], $0x200, s14, $0x10   }
0xe2: {  	s1 =	sand.u32 $0xFFFF8000, s23;
	s0 =	sand.u32 $0x380, s22  }
0xe3: {  	s0 =	sor.u32 s0, s1  }
0xe4: {  	s28 =	sshll.u32 s3, $0x7;
	s0 =	sshrl.u32 s0, $0x3  }
0xe5: {  	s26 =	sadd.s32 $0x1050, s19;
	s29 =	sshll.u32 s3, $0xC;
	s0 =	sadd.s32 s25, s0  }
0xe6: {  	[hbm:s26@s24], [sflag:s17] =	dma.strided [hbm:s0@s24], $0x200, s14, $0x10   }
0xe7: {  	s1 =	sand.u32 $0xFFFF8000, s29;
	s0 =	sand.u32 $0x380, s28  }
0xe8: {  	s0 =	sor.u32 s0, s1  }
0xe9: {  	s0 =	sshrl.u32 s0, $0x3  }
0xea: {  	s30 =	sshll.u32 s16, $0xC;
	s31 =	sshll.u32 s16, $0x7;
	s0 =	sadd.s32 s25, s0  }
0xeb: {  	[hbm:s15@s24], [sflag:s17] =	dma.strided [hbm:s0@s24], $0x200, s14, $0x10   }
0xec: {  	s1 =	sand.u32 $0x380, s31;
	s0 =	sand.u32 $0xFFFF8000, s30  }
0xed: {  	s0 =	sor.u32 s1, s0  }
0xee: {  	s0 =	sshrl.u32 s0, $0x3  }
0xef: {  	s0 =	sadd.s32 s25, s0  }
0xf0: {  	[hbm:s13@s24], [sflag:s17] =	dma.strided [hbm:s0@s24], $0x200, s14, $0x10   }
0xf1: {  	_ =	swait.ge [sflag:s14], $0x200  }
0xf2: {  	[sflag:s14] =	ssyncset.done $0x0  }
0xf3: {  	[sflag:s14] =	ssyncadd.s32 $0xFFFFFE00  }
0xf4: {  	_ =	swait.ge [sflag:s14], $0x200  }
0xf5: {  	[sflag:s14] =	ssyncset.done $0x0  }
0xf6: {  	[sflag:s14] =	ssyncadd.s32 $0xFFFFFE00  }
0xf7: {  	_ =	swait.ge [sflag:s14], $0x200  }
0xf8: {  	[sflag:s14] =	ssyncset.done $0x0  }
0xf9: {  	[sflag:s14] =	ssyncadd.s32 $0xFFFFFE00  }
0xfa: {  	_ =	swait.ge [sflag:s14], $0x200  }
0xfb: {  	[sflag:s14] =	ssyncset.done $0x0  }
0xfc: {  	[sflag:s14] =	ssyncadd.s32 $0xFFFFFE00  }
0xfd: {  	_ =	swait.ge [sflag:s14], $0x200  }
0xfe: {  	[sflag:s14] =	ssyncset.done $0x0  }
0xff: {  	[sflag:s14] =	ssyncadd.s32 $0xFFFFFE00  }
0x100: {  	_ =	swait.ge [sflag:s14], $0x200  }
0x101: {  	[sflag:s14] =	ssyncset.done $0x0  }
0x102: {  	[sflag:s14] =	ssyncadd.s32 $0xFFFFFE00  }
0x103: {  	_ =	swait.ge [sflag:s14], $0x200  }
0x104: {  	[sflag:s14] =	ssyncset.done $0x0  }
0x105: {  	[sflag:s14] =	ssyncadd.s32 $0xFFFFFE00  }
0x106: {  	_ =	swait.ge [sflag:s14], $0x200  }
0x107: {  	[sflag:s14] =	ssyncset.done $0x0  }
0x108: {  	[sflag:s14] =	ssyncadd.s32 $0xFFFFFE00  }
0x109: {  	_ =	swait.ge [sflag:s14], $0x200  }
0x10a: {  	[sflag:s14] =	ssyncset.done $0x0  }
0x10b: {  	[sflag:s14] =	ssyncadd.s32 $0xFFFFFE00  }
0x10c: {  	_ =	swait.ge [sflag:s14], $0x200  }
0x10d: {  	[sflag:s14] =	ssyncset.done $0x0  }
0x10e: {  	[sflag:s14] =	ssyncadd.s32 $0xFFFFFE00  }
0x10f: {  	_ =	swait.ge [sflag:s14], $0x200  }
0x110: {  	[sflag:s14] =	ssyncset.done $0x0  }
0x111: {  	[sflag:s14] =	ssyncadd.s32 $0xFFFFFE00  }
0x112: {  	_ =	swait.ge [sflag:s14], $0x200  }
0x113: {  	[sflag:s14] =	ssyncset.done $0x0  }
0x114: {  	[sflag:s14] =	ssyncadd.s32 $0xFFFFFE00  }
0x115: {  	_ =	swait.ge [sflag:s14], $0x200  }
0x116: {  	[sflag:s14] =	ssyncset.done $0x0  }
0x117: {  	[sflag:s14] =	ssyncadd.s32 $0xFFFFFE00  }
0x118: {  	_ =	swait.ge [sflag:s14], $0x200  }
0x119: {  	[sflag:s14] =	ssyncset.done $0x0  }
0x11a: {  	[sflag:s14] =	ssyncadd.s32 $0xFFFFFE00  }
0x11b: {  	_ =	swait.ge [sflag:s14], $0x200  }
0x11c: {  	[sflag:s14] =	ssyncset.done $0x0  }
0x11d: {  	[sflag:s14] =	ssyncadd.s32 $0xFFFFFE00  }
0x11e: {  	_ =	swait.ge [sflag:s14], $0x200  }
0x11f: {  	s0 =	simm.s32 $0x1F;
	[sflag:s14] =	ssyncset.done $0x0  }
.LBB2_4:
0x120: {  	p0 =	sne.s32 s0, $0x1;
	s0 =	sadd.s32 $0xFFFFFFFF, s0;
	[sflag:s14] =	ssyncadd.s32 $0xFFFFFE00  }
0x121: {  	_ =	swait.ge [sflag:s14], $0x200  }
0x122: {  	[sflag:s14] =	ssyncset.done $0x0  }
0x123: {  	[sflag:s14] =	ssyncadd.s32 $0xFFFFFE00  }
0x124: {  	_ =	swait.ge [sflag:s14], $0x200  }
0x125: {  	[sflag:s14] =	ssyncset.done $0x0  }
0x126: {  	[sflag:s14] =	ssyncadd.s32 $0xFFFFFE00  }
0x127: {  	_ =	swait.ge [sflag:s14], $0x200  }
0x128: {  	[sflag:s14] =	ssyncset.done $0x0  }
0x129: {  	[sflag:s14] =	ssyncadd.s32 $0xFFFFFE00  }
0x12a: {  	_ =	swait.ge [sflag:s14], $0x200  }
0x12b: {  	[sflag:s14] =	ssyncset.done $0x0  }
0x12c: {  	[sflag:s14] =	ssyncadd.s32 $0xFFFFFE00  }
0x12d: {  	_ =	swait.ge [sflag:s14], $0x200  }
0x12e: {  	[sflag:s14] =	ssyncset.done $0x0  }
0x12f: {  	[sflag:s14] =	ssyncadd.s32 $0xFFFFFE00  }
0x130: {  	_ =	swait.ge [sflag:s14], $0x200  }
0x131: {  	[sflag:s14] =	ssyncset.done $0x0  }
0x132: {  	[sflag:s14] =	ssyncadd.s32 $0xFFFFFE00  }
0x133: {  	_ =	swait.ge [sflag:s14], $0x200  }
0x134: {  	[sflag:s14] =	ssyncset.done $0x0  }
0x135: {  	[sflag:s14] =	ssyncadd.s32 $0xFFFFFE00  }
0x136: {  	_ =	swait.ge [sflag:s14], $0x200  }
0x137: {  	[sflag:s14] =	ssyncset.done $0x0  }
0x138: {  	[sflag:s14] =	ssyncadd.s32 $0xFFFFFE00  }
0x139: {  	_ =	swait.ge [sflag:s14], $0x200  }
0x13a: {  	[sflag:s14] =	ssyncset.done $0x0  }
0x13b: {  	[sflag:s14] =	ssyncadd.s32 $0xFFFFFE00  }
0x13c: {  	_ =	swait.ge [sflag:s14], $0x200  }
0x13d: {  	[sflag:s14] =	ssyncset.done $0x0  }
0x13e: {  	[sflag:s14] =	ssyncadd.s32 $0xFFFFFE00  }
0x13f: {  	_ =	swait.ge [sflag:s14], $0x200  }
0x140: {  	[sflag:s14] =	ssyncset.done $0x0  }
0x141: {  	[sflag:s14] =	ssyncadd.s32 $0xFFFFFE00  }
0x142: {  	_ =	swait.ge [sflag:s14], $0x200  }
0x143: {  	[sflag:s14] =	ssyncset.done $0x0  }
0x144: {  	[sflag:s14] =	ssyncadd.s32 $0xFFFFFE00  }
0x145: {  	_ =	swait.ge [sflag:s14], $0x200  }
0x146: {  	[sflag:s14] =	ssyncset.done $0x0  }
0x147: {  	[sflag:s14] =	ssyncadd.s32 $0xFFFFFE00  }
0x148: {  	_ =	swait.ge [sflag:s14], $0x200  }
0x149: {  	[sflag:s14] =	ssyncset.done $0x0  }
0x14a: {  	[sflag:s14] =	ssyncadd.s32 $0xFFFFFE00  }
.Ltmp1:
0x14b: {  	_ =	swait.ge [sflag:s14], $0x200;
	(pc) =	sbr.rel @p0 .LBB2_4-.Ltmp1, $4  }
0x14c: {  	[sflag:s14] =	ssyncset.done $0x0  }
0x14d: {  	[sflag:s14] =	ssyncadd.s32 $0xFFFFFE00  }
0x14e: {  	_ =	swait.ge [sflag:s14], $0x200  }
0x14f: {  	[sflag:s14] =	ssyncset.done $0x0  }
0x150: {  	s1 =	rddreg [dreg:$0x14]  }
0x151: {  	s0 =	rddreg [dreg:$0x13];
	s1 =	sadd.s32 $0x1, s1  }
0x152: {  	p0 =	sne.s32 s1, s0  }
.Ltmp2:
0x153: {  	_ = 	snop;
	(pc) =	sbr.rel @p0 .LBB2_1-.Ltmp2, $2  }
0x154: {  	_ =	sdelay $0x2  }
0x155: {  	[sflag:s14] =	ssyncadd.s32 $0xFFFFFE00  }
0x156: {  	_ =	sfence.sel $0x180000  }
0x157: {  	[bflag:$0x0] =	sbarrier.arrive $0xFFFF  }
0x158: {  	_ =	strace $0x90000047  }
0x159: {  	s0 =	stileid.u32;
	[bflag:$0x2] =	sbarrier.arrive $0xFFFF  }
0x15a: {  	p0 =	sne.s32 s0, $0x0;
	s0 =	rddreg [dreg:$0x3]  }
0x15b: {  	s0 =	sadd.s32 @!p0 $0x100000, s0  }
0x15c: {  	[sflag:s0] =	ssyncadd.tile.s32 @!p0 $0x1;
	_ =	shalt  }
.Lfunc_end2:
_tile_overlayer_lowered:
.L_overlay_start_2:
0x15d: {  	(tag) =	ssettag $0x2  }
0x15e: {  	s0 =	rddreg [dreg:$0x0];
	s2 =	stileid.u32  }
0x15f: {  	s1 =	rddreg [dreg:$0x1];
	p0 =	sne.s32 s2, $0x0  }
0x160: {  	s3 =	rddreg [dreg:$0x2];
	[bflag:$0x3] =	sbarrier.arrive $0xFFFF;
	s2 =	simm.s32 @!p0 $0x1C02  }
0x161: {  	[timem:s3], [sflag:s2] =	dma.local @!p0 [hbm:s0], s1  }
0x162: {  	s0 =	simm.s32 @!p0 $0x2  }
0x163: {  	_ =	swait.ge @!p0 [sflag:s0], s1  }
0x164: {  	s1 =	ssub.s32 @!p0 $0x0, s1;
	[sflag:s0] =	ssyncset.done @!p0 $0x0  }
0x165: {  	[sflag:s0] =	ssyncadd.s32 @!p0 s1  }
0x166: {  	[bflag:$0x3] =	sbarrier.arrive $0xFFFF  }
0x167: {  	_ =	shalt  }

</sc_bundles>
